<compile_context>
chip_gen: v7x
topology: tpu7x:2x2x1
jax: 0.10.2.dev20260603
libtpu: 0.0.44.dev20260713+nightly
codegen_flags: <defaults>
</compile_context>

<pallas_src>
import functools

import jax
import jax.numpy as jnp
from jax import lax
from jax.experimental import pallas as pl
from jax.experimental.pallas import tpu as pltpu
from jax.experimental.pallas import tpu_sc as plsc

LANES = 16


def _build(V, D, B, A, mesh):
    NC = mesh.num_cores
    NS = mesh.num_subcores
    NW = NC * NS
    assert B % (NW * 128) == 0
    b_per_w = B // NW
    n_chunks = b_per_w // 128
    n_groups = b_per_w // LANES
    W = D // 4

    @functools.partial(
        pl.kernel,
        out_type=jax.ShapeDtypeStruct((B, D), jnp.float32),
        mesh=mesh,
        compiler_params=pltpu.CompilerParams(
            needs_layout_passes=False, use_tc_tiling_on_sc=False),
        scratch_types=[
            pltpu.VMEM((b_per_w,), jnp.int32),
            pltpu.VMEM((n_chunks, 128), jnp.int32),
            pltpu.VMEM((b_per_w, D), jnp.uint8),
            pltpu.VMEM((A,), jnp.float32),
            pltpu.VMEM((256,), jnp.float32),
            pltpu.VMEM((b_per_w, D), jnp.float32),
            pltpu.SemaphoreType.DMA,
        ],
    )
    def deq_embed(x_hbm, qw_hbm, amax_hbm, code_hbm, out_hbm,
                  idx_v, idxg_v, rows_v, amax_v, code_v, out_v, sem):
        wid = lax.axis_index("s") * NC + lax.axis_index("c")
        base = wid * b_per_w

        for k in range(n_chunks):
            pltpu.sync_copy(x_hbm.at[pl.ds(base + k * 128, 128)], idxg_v.at[k])
        copies = [
            pltpu.async_copy(qw_hbm.at[idxg_v.at[k]],
                             rows_v.at[pl.ds(k * 128, 128)], sem)
            for k in range(n_chunks)
        ]
        pltpu.sync_copy(x_hbm.at[pl.ds(base, b_per_w)], idx_v)
        pltpu.sync_copy(amax_hbm, amax_v)
        pltpu.sync_copy(code_hbm, code_v)
        for cp in copies:
            cp.wait()

        iota = lax.broadcasted_iota(jnp.int32, (LANES,), 0)

        def group(g, _):
            base_row = g * LANES
            idx16 = plsc.load_gather(idx_v, [base_row + iota])
            amax16 = plsc.load_gather(amax_v, [lax.shift_right_logical(idx16, 6)])
            for r in range(LANES):
                row = base_row + r
                w = plsc.bitcast(rows_v[row], jnp.int32)
                amax_r = lax.broadcast_in_dim(amax16[r], (LANES,), ())
                row_s = lax.broadcast_in_dim(row, (LANES,), ())
                for j in range(4):
                    q = lax.shift_right_logical(w, 8 * j) & 255 if j else w & 255
                    val = plsc.load_gather(code_v, [q]) * amax_r
                    plsc.store_scatter(out_v, [row_s, 4 * iota + j], val)
            return 0

        lax.fori_loop(0, n_groups, group, 0)
        pltpu.sync_copy(out_v, out_hbm.at[pl.ds(base, b_per_w)])

    return deq_embed


def kernel(x, quant_weight, quant_absmax, quant_code):
    V, D = quant_weight.shape
    B = x.shape[0]
    A = quant_absmax.shape[0]
    mesh = plsc.VectorSubcoreMesh(core_axis_name="c", subcore_axis_name="s")
    fn = _build(V, D, B, A, mesh)
    return fn(x, quant_weight, quant_absmax, quant_code)

# --- scband reference (transcript-rebuilt; emitter-appended) ---
"""Pipeline reference for scband-quantized-embedding-13460427506049 (READ-ONLY COPY).

The authoritative reference and input builder live on the scoring server;
editing this copy changes nothing except your own understanding.
"""

import jax, jax.numpy as jnp
import numpy as np

V = 1000000   # num_embeddings
D = 64        # embedding_dim
B = 16384     # batch of lookup indices
BLOCK = 4096  # bitsandbytes blockwise quantization block size (V*D divisible by BLOCK)


def setup_inputs(seed: int = 0) -> dict:
    key = jax.random.key(seed)
    k1, k2, k3 = jax.random.split(key, 3)
    # forward arg: lookup indices
    x = jax.random.randint(k1, (B,), 0, V, dtype=jnp.int32)
    # frozen quantized parameters (buffers of the module)
    quant_weight = jax.random.randint(k2, (V, D), 0, 256, dtype=jnp.int32).astype(jnp.uint8)
    quant_absmax = jax.random.uniform(k3, (V * D // BLOCK,), minval=0.01, maxval=0.5, dtype=jnp.float32)
    # dynamic quantization map (code) approximated as a monotone map over [-1, 1]
    quant_code = jnp.linspace(-1.0, 1.0, 256, dtype=jnp.float32)
    return {"x": x, "quant_weight": quant_weight, "quant_absmax": quant_absmax, "quant_code": quant_code}


def dequantize_blockwise(qw, absmax, code, block=BLOCK):
    flat = qw.reshape(-1).astype(jnp.int32)
    # value = code[q] * absmax[block_of(element)]
    vals = jnp.take(code, flat) * jnp.repeat(absmax, block)
    return vals.reshape(qw.shape)


def reference(x, quant_weight, quant_absmax, quant_code):
    # QuantizedEmbedding._forward: dequantize frozen 8-bit table, then F.embedding
    weight_deq = dequantize_blockwise(quant_weight, quant_absmax, quant_code)
    weight_deq = jax.lax.stop_gradient(weight_deq)  # torch.no_grad() in original
    out = jnp.take(weight_deq, x, axis=0)
    return out

if __name__ == "__main__":
    import jax
    _d = setup_inputs()
    print(jax.jit(kernel)(*tuple(_d.values())))

</pallas_src>

<mosaic_0001>
#map = affine_map<(d0, d1) -> (0)>
#map1 = affine_map<(d0, d1) -> (0, 0)>
module attributes {stable_mosaic.version = 14 : i64} {
  func.func @deq_embed(%arg0: i32, %arg1: i32, %arg2: memref<16384xi32, #tpu.memory_space<hbm>>, %arg3: memref<1000000x64xi8, #tpu.memory_space<hbm>>, %arg4: memref<15625xf32, #tpu.memory_space<hbm>>, %arg5: memref<256xf32, #tpu.memory_space<hbm>>, %arg6: memref<16384x64xf32, #tpu.memory_space<hbm>>, %arg7: memref<512xi32, #tpu.memory_space<vmem>>, %arg8: memref<4x128xi32, #tpu.memory_space<vmem>>, %arg9: memref<512x64xi8, #tpu.memory_space<vmem>>, %arg10: memref<15625xf32, #tpu.memory_space<vmem>>, %arg11: memref<256xf32, #tpu.memory_space<vmem>>, %arg12: memref<512x64xf32, #tpu.memory_space<vmem>>, %arg13: memref<!tpu.dma_semaphore, #tpu.memory_space<semaphore_mem>>) attributes {dimension_semantics = [#tpu.dimension_semantics<core_parallel>, #tpu.dimension_semantics<subcore_parallel>], iteration_bounds = array<i64: 2, 16>, scalar_prefetch = 0 : i64, scratch_operands = 7 : i64, tpu.core_type = #tpu.core_type<sc_vector_subcore>, window_params = [{transform_indices = #map}, {transform_indices = #map1}, {transform_indices = #map}, {transform_indices = #map}, {transform_indices = #map1}]} {
    %mul3A = arith.constant 2 : i32
    %mul3A_0 = arith.muli %arg1, %mul3A : i32
    %add3A = arith.addi %mul3A_0, %arg0 : i32
    %mul3A_1 = arith.constant 512 : i32
    %mul3A_2 = arith.muli %add3A, %mul3A_1 : i32
    %add3A_3 = arith.constant 0 : i32
    %add3A_4 = arith.addi %mul3A_2, %add3A_3 : i32
    %run_scoped3A = arith.constant 0 : i32
    "tpu.region"() ({
      %run_scoped3A_98 = tpu.sem_alloc : memref<!tpu.dma_semaphore, #tpu.memory_space<semaphore_mem>>
      %dma_start3A_99 = arith.constant 0 : i32
      %dma_start3A_100 = tpu.memref_slice %arg8[%run_scoped3A, %dma_start3A_99] : memref<4x128xi32, #tpu.memory_space<vmem>> -> memref<1x128xi32, #tpu.memory_space<vmem>>
      %dma_start3A_101 = tpu.memref_squeeze %dma_start3A_100 : memref<1x128xi32, #tpu.memory_space<vmem>> -> memref<128xi32, #tpu.memory_space<vmem>>
      %dma_start3A_102 = tpu.memref_slice %arg2[%add3A_4] : memref<16384xi32, #tpu.memory_space<hbm>> -> memref<128xi32, #tpu.memory_space<hbm>>
      %dma_start3A_103 = arith.constant 0 : i32
      %dma_start3A_104 = tpu.memref_slice %arg8[%run_scoped3A, %dma_start3A_103] : memref<4x128xi32, #tpu.memory_space<vmem>> -> memref<1x128xi32, #tpu.memory_space<vmem>>
      %dma_start3A_105 = tpu.memref_squeeze %dma_start3A_104 : memref<1x128xi32, #tpu.memory_space<vmem>> -> memref<128xi32, #tpu.memory_space<vmem>>
      %dma_start3A_106 = tpu.memref_slice %arg2[%add3A_4] : memref<16384xi32, #tpu.memory_space<hbm>> -> memref<128xi32, #tpu.memory_space<hbm>>
      tpu.enqueue_dma source(%dma_start3A_106 : memref<128xi32, #tpu.memory_space<hbm>>) target(%dma_start3A_105 : memref<128xi32, #tpu.memory_space<vmem>>) target_semaphore(%run_scoped3A_98 : memref<!tpu.dma_semaphore, #tpu.memory_space<semaphore_mem>>)
      %dma_wait3A_107 = arith.constant 0 : i32
      %dma_wait3A_108 = tpu.memref_slice %arg8[%run_scoped3A, %dma_wait3A_107] : memref<4x128xi32, #tpu.memory_space<vmem>> -> memref<1x128xi32, #tpu.memory_space<vmem>>
      %dma_wait3A_109 = tpu.memref_squeeze %dma_wait3A_108 : memref<1x128xi32, #tpu.memory_space<vmem>> -> memref<128xi32, #tpu.memory_space<vmem>>
      %dma_wait3A_110 = tpu.memref_slice %arg2[%add3A_4] : memref<16384xi32, #tpu.memory_space<hbm>> -> memref<128xi32, #tpu.memory_space<hbm>>
      %dma_wait3A_111 = arith.constant 0 : i32
      %dma_wait3A_112 = tpu.memref_slice %arg8[%run_scoped3A, %dma_wait3A_111] : memref<4x128xi32, #tpu.memory_space<vmem>> -> memref<1x128xi32, #tpu.memory_space<vmem>>
      %dma_wait3A_113 = tpu.memref_squeeze %dma_wait3A_112 : memref<1x128xi32, #tpu.memory_space<vmem>> -> memref<128xi32, #tpu.memory_space<vmem>>
      %dma_wait3A_114 = tpu.memref_slice %arg2[%add3A_4] : memref<16384xi32, #tpu.memory_space<hbm>> -> memref<128xi32, #tpu.memory_space<hbm>>
      tpu.wait_dma2 semaphore(%run_scoped3A_98 : memref<!tpu.dma_semaphore, #tpu.memory_space<semaphore_mem>>) src(%dma_wait3A_114 : memref<128xi32, #tpu.memory_space<hbm>>) dst(%dma_wait3A_113 : memref<128xi32, #tpu.memory_space<vmem>>)
      tpu.yield
    }) : () -> ()
    %add3A_5 = arith.constant 128 : i32
    %add3A_6 = arith.addi %mul3A_2, %add3A_5 : i32
    %run_scoped3A_7 = arith.constant 1 : i32
    "tpu.region"() ({
      %run_scoped3A_98 = tpu.sem_alloc : memref<!tpu.dma_semaphore, #tpu.memory_space<semaphore_mem>>
      %dma_start3A_99 = arith.constant 0 : i32
      %dma_start3A_100 = tpu.memref_slice %arg8[%run_scoped3A_7, %dma_start3A_99] : memref<4x128xi32, #tpu.memory_space<vmem>> -> memref<1x128xi32, #tpu.memory_space<vmem>>
      %dma_start3A_101 = tpu.memref_squeeze %dma_start3A_100 : memref<1x128xi32, #tpu.memory_space<vmem>> -> memref<128xi32, #tpu.memory_space<vmem>>
      %dma_start3A_102 = tpu.memref_slice %arg2[%add3A_6] : memref<16384xi32, #tpu.memory_space<hbm>> -> memref<128xi32, #tpu.memory_space<hbm>>
      %dma_start3A_103 = arith.constant 0 : i32
      %dma_start3A_104 = tpu.memref_slice %arg8[%run_scoped3A_7, %dma_start3A_103] : memref<4x128xi32, #tpu.memory_space<vmem>> -> memref<1x128xi32, #tpu.memory_space<vmem>>
      %dma_start3A_105 = tpu.memref_squeeze %dma_start3A_104 : memref<1x128xi32, #tpu.memory_space<vmem>> -> memref<128xi32, #tpu.memory_space<vmem>>
      %dma_start3A_106 = tpu.memref_slice %arg2[%add3A_6] : memref<16384xi32, #tpu.memory_space<hbm>> -> memref<128xi32, #tpu.memory_space<hbm>>
      tpu.enqueue_dma source(%dma_start3A_106 : memref<128xi32, #tpu.memory_space<hbm>>) target(%dma_start3A_105 : memref<128xi32, #tpu.memory_space<vmem>>) target_semaphore(%run_scoped3A_98 : memref<!tpu.dma_semaphore, #tpu.memory_space<semaphore_mem>>)
      %dma_wait3A_107 = arith.constant 0 : i32
      %dma_wait3A_108 = tpu.memref_slice %arg8[%run_scoped3A_7, %dma_wait3A_107] : memref<4x128xi32, #tpu.memory_space<vmem>> -> memref<1x128xi32, #tpu.memory_space<vmem>>
      %dma_wait3A_109 = tpu.memref_squeeze %dma_wait3A_108 : memref<1x128xi32, #tpu.memory_space<vmem>> -> memref<128xi32, #tpu.memory_space<vmem>>
      %dma_wait3A_110 = tpu.memref_slice %arg2[%add3A_6] : memref<16384xi32, #tpu.memory_space<hbm>> -> memref<128xi32, #tpu.memory_space<hbm>>
      %dma_wait3A_111 = arith.constant 0 : i32
      %dma_wait3A_112 = tpu.memref_slice %arg8[%run_scoped3A_7, %dma_wait3A_111] : memref<4x128xi32, #tpu.memory_space<vmem>> -> memref<1x128xi32, #tpu.memory_space<vmem>>
      %dma_wait3A_113 = tpu.memref_squeeze %dma_wait3A_112 : memref<1x128xi32, #tpu.memory_space<vmem>> -> memref<128xi32, #tpu.memory_space<vmem>>
      %dma_wait3A_114 = tpu.memref_slice %arg2[%add3A_6] : memref<16384xi32, #tpu.memory_space<hbm>> -> memref<128xi32, #tpu.memory_space<hbm>>
      tpu.wait_dma2 semaphore(%run_scoped3A_98 : memref<!tpu.dma_semaphore, #tpu.memory_space<semaphore_mem>>) src(%dma_wait3A_114 : memref<128xi32, #tpu.memory_space<hbm>>) dst(%dma_wait3A_113 : memref<128xi32, #tpu.memory_space<vmem>>)
      tpu.yield
    }) : () -> ()
    %add3A_8 = arith.constant 256 : i32
    %add3A_9 = arith.addi %mul3A_2, %add3A_8 : i32
    %run_scoped3A_10 = arith.constant 2 : i32
    "tpu.region"() ({
      %run_scoped3A_98 = tpu.sem_alloc : memref<!tpu.dma_semaphore, #tpu.memory_space<semaphore_mem>>
      %dma_start3A_99 = arith.constant 0 : i32
      %dma_start3A_100 = tpu.memref_slice %arg8[%run_scoped3A_10, %dma_start3A_99] : memref<4x128xi32, #tpu.memory_space<vmem>> -> memref<1x128xi32, #tpu.memory_space<vmem>>
      %dma_start3A_101 = tpu.memref_squeeze %dma_start3A_100 : memref<1x128xi32, #tpu.memory_space<vmem>> -> memref<128xi32, #tpu.memory_space<vmem>>
      %dma_start3A_102 = tpu.memref_slice %arg2[%add3A_9] : memref<16384xi32, #tpu.memory_space<hbm>> -> memref<128xi32, #tpu.memory_space<hbm>>
      %dma_start3A_103 = arith.constant 0 : i32
      %dma_start3A_104 = tpu.memref_slice %arg8[%run_scoped3A_10, %dma_start3A_103] : memref<4x128xi32, #tpu.memory_space<vmem>> -> memref<1x128xi32, #tpu.memory_space<vmem>>
      %dma_start3A_105 = tpu.memref_squeeze %dma_start3A_104 : memref<1x128xi32, #tpu.memory_space<vmem>> -> memref<128xi32, #tpu.memory_space<vmem>>
      %dma_start3A_106 = tpu.memref_slice %arg2[%add3A_9] : memref<16384xi32, #tpu.memory_space<hbm>> -> memref<128xi32, #tpu.memory_space<hbm>>
      tpu.enqueue_dma source(%dma_start3A_106 : memref<128xi32, #tpu.memory_space<hbm>>) target(%dma_start3A_105 : memref<128xi32, #tpu.memory_space<vmem>>) target_semaphore(%run_scoped3A_98 : memref<!tpu.dma_semaphore, #tpu.memory_space<semaphore_mem>>)
      %dma_wait3A_107 = arith.constant 0 : i32
      %dma_wait3A_108 = tpu.memref_slice %arg8[%run_scoped3A_10, %dma_wait3A_107] : memref<4x128xi32, #tpu.memory_space<vmem>> -> memref<1x128xi32, #tpu.memory_space<vmem>>
      %dma_wait3A_109 = tpu.memref_squeeze %dma_wait3A_108 : memref<1x128xi32, #tpu.memory_space<vmem>> -> memref<128xi32, #tpu.memory_space<vmem>>
      %dma_wait3A_110 = tpu.memref_slice %arg2[%add3A_9] : memref<16384xi32, #tpu.memory_space<hbm>> -> memref<128xi32, #tpu.memory_space<hbm>>
      %dma_wait3A_111 = arith.constant 0 : i32
      %dma_wait3A_112 = tpu.memref_slice %arg8[%run_scoped3A_10, %dma_wait3A_111] : memref<4x128xi32, #tpu.memory_space<vmem>> -> memref<1x128xi32, #tpu.memory_space<vmem>>
      %dma_wait3A_113 = tpu.memref_squeeze %dma_wait3A_112 : memref<1x128xi32, #tpu.memory_space<vmem>> -> memref<128xi32, #tpu.memory_space<vmem>>
      %dma_wait3A_114 = tpu.memref_slice %arg2[%add3A_9] : memref<16384xi32, #tpu.memory_space<hbm>> -> memref<128xi32, #tpu.memory_space<hbm>>
      tpu.wait_dma2 semaphore(%run_scoped3A_98 : memref<!tpu.dma_semaphore, #tpu.memory_space<semaphore_mem>>) src(%dma_wait3A_114 : memref<128xi32, #tpu.memory_space<hbm>>) dst(%dma_wait3A_113 : memref<128xi32, #tpu.memory_space<vmem>>)
      tpu.yield
    }) : () -> ()
    %add3A_11 = arith.constant 384 : i32
    %add3A_12 = arith.addi %mul3A_2, %add3A_11 : i32
    %run_scoped3A_13 = arith.constant 3 : i32
    "tpu.region"() ({
      %run_scoped3A_98 = tpu.sem_alloc : memref<!tpu.dma_semaphore, #tpu.memory_space<semaphore_mem>>
      %dma_start3A_99 = arith.constant 0 : i32
      %dma_start3A_100 = tpu.memref_slice %arg8[%run_scoped3A_13, %dma_start3A_99] : memref<4x128xi32, #tpu.memory_space<vmem>> -> memref<1x128xi32, #tpu.memory_space<vmem>>
      %dma_start3A_101 = tpu.memref_squeeze %dma_start3A_100 : memref<1x128xi32, #tpu.memory_space<vmem>> -> memref<128xi32, #tpu.memory_space<vmem>>
      %dma_start3A_102 = tpu.memref_slice %arg2[%add3A_12] : memref<16384xi32, #tpu.memory_space<hbm>> -> memref<128xi32, #tpu.memory_space<hbm>>
      %dma_start3A_103 = arith.constant 0 : i32
      %dma_start3A_104 = tpu.memref_slice %arg8[%run_scoped3A_13, %dma_start3A_103] : memref<4x128xi32, #tpu.memory_space<vmem>> -> memref<1x128xi32, #tpu.memory_space<vmem>>
      %dma_start3A_105 = tpu.memref_squeeze %dma_start3A_104 : memref<1x128xi32, #tpu.memory_space<vmem>> -> memref<128xi32, #tpu.memory_space<vmem>>
      %dma_start3A_106 = tpu.memref_slice %arg2[%add3A_12] : memref<16384xi32, #tpu.memory_space<hbm>> -> memref<128xi32, #tpu.memory_space<hbm>>
      tpu.enqueue_dma source(%dma_start3A_106 : memref<128xi32, #tpu.memory_space<hbm>>) target(%dma_start3A_105 : memref<128xi32, #tpu.memory_space<vmem>>) target_semaphore(%run_scoped3A_98 : memref<!tpu.dma_semaphore, #tpu.memory_space<semaphore_mem>>)
      %dma_wait3A_107 = arith.constant 0 : i32
      %dma_wait3A_108 = tpu.memref_slice %arg8[%run_scoped3A_13, %dma_wait3A_107] : memref<4x128xi32, #tpu.memory_space<vmem>> -> memref<1x128xi32, #tpu.memory_space<vmem>>
      %dma_wait3A_109 = tpu.memref_squeeze %dma_wait3A_108 : memref<1x128xi32, #tpu.memory_space<vmem>> -> memref<128xi32, #tpu.memory_space<vmem>>
      %dma_wait3A_110 = tpu.memref_slice %arg2[%add3A_12] : memref<16384xi32, #tpu.memory_space<hbm>> -> memref<128xi32, #tpu.memory_space<hbm>>
      %dma_wait3A_111 = arith.constant 0 : i32
      %dma_wait3A_112 = tpu.memref_slice %arg8[%run_scoped3A_13, %dma_wait3A_111] : memref<4x128xi32, #tpu.memory_space<vmem>> -> memref<1x128xi32, #tpu.memory_space<vmem>>
      %dma_wait3A_113 = tpu.memref_squeeze %dma_wait3A_112 : memref<1x128xi32, #tpu.memory_space<vmem>> -> memref<128xi32, #tpu.memory_space<vmem>>
      %dma_wait3A_114 = tpu.memref_slice %arg2[%add3A_12] : memref<16384xi32, #tpu.memory_space<hbm>> -> memref<128xi32, #tpu.memory_space<hbm>>
      tpu.wait_dma2 semaphore(%run_scoped3A_98 : memref<!tpu.dma_semaphore, #tpu.memory_space<semaphore_mem>>) src(%dma_wait3A_114 : memref<128xi32, #tpu.memory_space<hbm>>) dst(%dma_wait3A_113 : memref<128xi32, #tpu.memory_space<vmem>>)
      tpu.yield
    }) : () -> ()
    %dma_start3A = arith.constant 0 : i32
    %dma_start3A_14 = arith.constant 0 : i32
    %dma_start3A_15 = arith.constant 0 : i32
    %dma_start3A_16 = tpu.memref_slice %arg9[%dma_start3A_14, %dma_start3A_15] : memref<512x64xi8, #tpu.memory_space<vmem>> -> memref<128x64xi8, #tpu.memory_space<vmem>>
    %dma_start3A_17 = arith.constant 0 : i32
    %dma_start3A_18 = tpu.memref_slice %arg8[%dma_start3A, %dma_start3A_17] : memref<4x128xi32, #tpu.memory_space<vmem>> -> memref<1x128xi32, #tpu.memory_space<vmem>>
    %dma_start3A_19 = tpu.memref_squeeze %dma_start3A_18 : memref<1x128xi32, #tpu.memory_space<vmem>> -> memref<128xi32, #tpu.memory_space<vmem>>
    %dma_start3A_20 = arith.constant 0 : i32
    %dma_start3A_21 = arith.constant 0 : i32
    %dma_start3A_22 = tpu.memref_slice %arg3[%dma_start3A_20, %dma_start3A_21] : memref<1000000x64xi8, #tpu.memory_space<hbm>> -> memref<1000000x64xi8, #tpu.memory_space<hbm>>
    tpu.enqueue_indirect_dma source(%dma_start3A_22 : memref<1000000x64xi8, #tpu.memory_space<hbm>>) target(%dma_start3A_16 : memref<128x64xi8, #tpu.memory_space<vmem>>) offsets(%dma_start3A_19 : memref<128xi32, #tpu.memory_space<vmem>>) semaphore(%arg13 : memref<!tpu.dma_semaphore, #tpu.memory_space<semaphore_mem>>)
    %dma_start3A_23 = arith.constant 1 : i32
    %dma_start3A_24 = arith.constant 128 : i32
    %dma_start3A_25 = arith.constant 0 : i32
    %dma_start3A_26 = tpu.memref_slice %arg9[%dma_start3A_24, %dma_start3A_25] : memref<512x64xi8, #tpu.memory_space<vmem>> -> memref<128x64xi8, #tpu.memory_space<vmem>>
    %dma_start3A_27 = arith.constant 0 : i32
    %dma_start3A_28 = tpu.memref_slice %arg8[%dma_start3A_23, %dma_start3A_27] : memref<4x128xi32, #tpu.memory_space<vmem>> -> memref<1x128xi32, #tpu.memory_space<vmem>>
    %dma_start3A_29 = tpu.memref_squeeze %dma_start3A_28 : memref<1x128xi32, #tpu.memory_space<vmem>> -> memref<128xi32, #tpu.memory_space<vmem>>
    %dma_start3A_30 = arith.constant 0 : i32
    %dma_start3A_31 = arith.constant 0 : i32
    %dma_start3A_32 = tpu.memref_slice %arg3[%dma_start3A_30, %dma_start3A_31] : memref<1000000x64xi8, #tpu.memory_space<hbm>> -> memref<1000000x64xi8, #tpu.memory_space<hbm>>
    tpu.enqueue_indirect_dma source(%dma_start3A_32 : memref<1000000x64xi8, #tpu.memory_space<hbm>>) target(%dma_start3A_26 : memref<128x64xi8, #tpu.memory_space<vmem>>) offsets(%dma_start3A_29 : memref<128xi32, #tpu.memory_space<vmem>>) semaphore(%arg13 : memref<!tpu.dma_semaphore, #tpu.memory_space<semaphore_mem>>)
    %dma_start3A_33 = arith.constant 2 : i32
    %dma_start3A_34 = arith.constant 256 : i32
    %dma_start3A_35 = arith.constant 0 : i32
    %dma_start3A_36 = tpu.memref_slice %arg9[%dma_start3A_34, %dma_start3A_35] : memref<512x64xi8, #tpu.memory_space<vmem>> -> memref<128x64xi8, #tpu.memory_space<vmem>>
    %dma_start3A_37 = arith.constant 0 : i32
    %dma_start3A_38 = tpu.memref_slice %arg8[%dma_start3A_33, %dma_start3A_37] : memref<4x128xi32, #tpu.memory_space<vmem>> -> memref<1x128xi32, #tpu.memory_space<vmem>>
    %dma_start3A_39 = tpu.memref_squeeze %dma_start3A_38 : memref<1x128xi32, #tpu.memory_space<vmem>> -> memref<128xi32, #tpu.memory_space<vmem>>
    %dma_start3A_40 = arith.constant 0 : i32
    %dma_start3A_41 = arith.constant 0 : i32
    %dma_start3A_42 = tpu.memref_slice %arg3[%dma_start3A_40, %dma_start3A_41] : memref<1000000x64xi8, #tpu.memory_space<hbm>> -> memref<1000000x64xi8, #tpu.memory_space<hbm>>
    tpu.enqueue_indirect_dma source(%dma_start3A_42 : memref<1000000x64xi8, #tpu.memory_space<hbm>>) target(%dma_start3A_36 : memref<128x64xi8, #tpu.memory_space<vmem>>) offsets(%dma_start3A_39 : memref<128xi32, #tpu.memory_space<vmem>>) semaphore(%arg13 : memref<!tpu.dma_semaphore, #tpu.memory_space<semaphore_mem>>)
    %dma_start3A_43 = arith.constant 3 : i32
    %dma_start3A_44 = arith.constant 384 : i32
    %dma_start3A_45 = arith.constant 0 : i32
    %dma_start3A_46 = tpu.memref_slice %arg9[%dma_start3A_44, %dma_start3A_45] : memref<512x64xi8, #tpu.memory_space<vmem>> -> memref<128x64xi8, #tpu.memory_space<vmem>>
    %dma_start3A_47 = arith.constant 0 : i32
    %dma_start3A_48 = tpu.memref_slice %arg8[%dma_start3A_43, %dma_start3A_47] : memref<4x128xi32, #tpu.memory_space<vmem>> -> memref<1x128xi32, #tpu.memory_space<vmem>>
    %dma_start3A_49 = tpu.memref_squeeze %dma_start3A_48 : memref<1x128xi32, #tpu.memory_space<vmem>> -> memref<128xi32, #tpu.memory_space<vmem>>
    %dma_start3A_50 = arith.constant 0 : i32
    %dma_start3A_51 = arith.constant 0 : i32
    %dma_start3A_52 = tpu.memref_slice %arg3[%dma_start3A_50, %dma_start3A_51] : memref<1000000x64xi8, #tpu.memory_space<hbm>> -> memref<1000000x64xi8, #tpu.memory_space<hbm>>
    tpu.enqueue_indirect_dma source(%dma_start3A_52 : memref<1000000x64xi8, #tpu.memory_space<hbm>>) target(%dma_start3A_46 : memref<128x64xi8, #tpu.memory_space<vmem>>) offsets(%dma_start3A_49 : memref<128xi32, #tpu.memory_space<vmem>>) semaphore(%arg13 : memref<!tpu.dma_semaphore, #tpu.memory_space<semaphore_mem>>)
    "tpu.region"() ({
      %run_scoped3A_98 = tpu.sem_alloc : memref<!tpu.dma_semaphore, #tpu.memory_space<semaphore_mem>>
      %dma_start3A_99 = tpu.memref_slice %arg2[%mul3A_2] : memref<16384xi32, #tpu.memory_space<hbm>> -> memref<512xi32, #tpu.memory_space<hbm>>
      %dma_start3A_100 = tpu.memref_slice %arg2[%mul3A_2] : memref<16384xi32, #tpu.memory_space<hbm>> -> memref<512xi32, #tpu.memory_space<hbm>>
      tpu.enqueue_dma source(%dma_start3A_100 : memref<512xi32, #tpu.memory_space<hbm>>) target(%arg7 : memref<512xi32, #tpu.memory_space<vmem>>) target_semaphore(%run_scoped3A_98 : memref<!tpu.dma_semaphore, #tpu.memory_space<semaphore_mem>>)
      %dma_wait3A_101 = tpu.memref_slice %arg2[%mul3A_2] : memref<16384xi32, #tpu.memory_space<hbm>> -> memref<512xi32, #tpu.memory_space<hbm>>
      %dma_wait3A_102 = tpu.memref_slice %arg2[%mul3A_2] : memref<16384xi32, #tpu.memory_space<hbm>> -> memref<512xi32, #tpu.memory_space<hbm>>
      tpu.wait_dma2 semaphore(%run_scoped3A_98 : memref<!tpu.dma_semaphore, #tpu.memory_space<semaphore_mem>>) src(%dma_wait3A_102 : memref<512xi32, #tpu.memory_space<hbm>>) dst(%arg7 : memref<512xi32, #tpu.memory_space<vmem>>)
      tpu.yield
    }) : () -> ()
    "tpu.region"() ({
      %run_scoped3A_98 = tpu.sem_alloc : memref<!tpu.dma_semaphore, #tpu.memory_space<semaphore_mem>>
      tpu.enqueue_dma source(%arg4 : memref<15625xf32, #tpu.memory_space<hbm>>) target(%arg10 : memref<15625xf32, #tpu.memory_space<vmem>>) target_semaphore(%run_scoped3A_98 : memref<!tpu.dma_semaphore, #tpu.memory_space<semaphore_mem>>)
      tpu.wait_dma2 semaphore(%run_scoped3A_98 : memref<!tpu.dma_semaphore, #tpu.memory_space<semaphore_mem>>) src(%arg4 : memref<15625xf32, #tpu.memory_space<hbm>>) dst(%arg10 : memref<15625xf32, #tpu.memory_space<vmem>>)
      tpu.yield
    }) : () -> ()
    "tpu.region"() ({
      %run_scoped3A_98 = tpu.sem_alloc : memref<!tpu.dma_semaphore, #tpu.memory_space<semaphore_mem>>
      tpu.enqueue_dma source(%arg5 : memref<256xf32, #tpu.memory_space<hbm>>) target(%arg11 : memref<256xf32, #tpu.memory_space<vmem>>) target_semaphore(%run_scoped3A_98 : memref<!tpu.dma_semaphore, #tpu.memory_space<semaphore_mem>>)
      tpu.wait_dma2 semaphore(%run_scoped3A_98 : memref<!tpu.dma_semaphore, #tpu.memory_space<semaphore_mem>>) src(%arg5 : memref<256xf32, #tpu.memory_space<hbm>>) dst(%arg11 : memref<256xf32, #tpu.memory_space<vmem>>)
      tpu.yield
    }) : () -> ()
    %dma_wait3A = arith.constant 0 : i32
    %dma_wait3A_53 = arith.constant 0 : i32
    %dma_wait3A_54 = arith.constant 0 : i32
    %dma_wait3A_55 = tpu.memref_slice %arg9[%dma_wait3A_53, %dma_wait3A_54] : memref<512x64xi8, #tpu.memory_space<vmem>> -> memref<128x64xi8, #tpu.memory_space<vmem>>
    %dma_wait3A_56 = arith.constant 0 : i32
    %dma_wait3A_57 = tpu.memref_slice %arg8[%dma_wait3A, %dma_wait3A_56] : memref<4x128xi32, #tpu.memory_space<vmem>> -> memref<1x128xi32, #tpu.memory_space<vmem>>
    %dma_wait3A_58 = tpu.memref_squeeze %dma_wait3A_57 : memref<1x128xi32, #tpu.memory_space<vmem>> -> memref<128xi32, #tpu.memory_space<vmem>>
    %dma_wait3A_59 = arith.constant 0 : i32
    %dma_wait3A_60 = arith.constant 0 : i32
    %dma_wait3A_61 = tpu.memref_slice %arg3[%dma_wait3A_59, %dma_wait3A_60] : memref<1000000x64xi8, #tpu.memory_space<hbm>> -> memref<1000000x64xi8, #tpu.memory_space<hbm>>
    tpu.wait_indirect_dma semaphore(%arg13 : memref<!tpu.dma_semaphore, #tpu.memory_space<semaphore_mem>>) src(%dma_wait3A_61 : memref<1000000x64xi8, #tpu.memory_space<hbm>>) dst(%dma_wait3A_55 : memref<128x64xi8, #tpu.memory_space<vmem>>)
    %dma_wait3A_62 = arith.constant 1 : i32
    %dma_wait3A_63 = arith.constant 128 : i32
    %dma_wait3A_64 = arith.constant 0 : i32
    %dma_wait3A_65 = tpu.memref_slice %arg9[%dma_wait3A_63, %dma_wait3A_64] : memref<512x64xi8, #tpu.memory_space<vmem>> -> memref<128x64xi8, #tpu.memory_space<vmem>>
    %dma_wait3A_66 = arith.constant 0 : i32
    %dma_wait3A_67 = tpu.memref_slice %arg8[%dma_wait3A_62, %dma_wait3A_66] : memref<4x128xi32, #tpu.memory_space<vmem>> -> memref<1x128xi32, #tpu.memory_space<vmem>>
    %dma_wait3A_68 = tpu.memref_squeeze %dma_wait3A_67 : memref<1x128xi32, #tpu.memory_space<vmem>> -> memref<128xi32, #tpu.memory_space<vmem>>
    %dma_wait3A_69 = arith.constant 0 : i32
    %dma_wait3A_70 = arith.constant 0 : i32
    %dma_wait3A_71 = tpu.memref_slice %arg3[%dma_wait3A_69, %dma_wait3A_70] : memref<1000000x64xi8, #tpu.memory_space<hbm>> -> memref<1000000x64xi8, #tpu.memory_space<hbm>>
    tpu.wait_indirect_dma semaphore(%arg13 : memref<!tpu.dma_semaphore, #tpu.memory_space<semaphore_mem>>) src(%dma_wait3A_71 : memref<1000000x64xi8, #tpu.memory_space<hbm>>) dst(%dma_wait3A_65 : memref<128x64xi8, #tpu.memory_space<vmem>>)
    %dma_wait3A_72 = arith.constant 2 : i32
    %dma_wait3A_73 = arith.constant 256 : i32
    %dma_wait3A_74 = arith.constant 0 : i32
    %dma_wait3A_75 = tpu.memref_slice %arg9[%dma_wait3A_73, %dma_wait3A_74] : memref<512x64xi8, #tpu.memory_space<vmem>> -> memref<128x64xi8, #tpu.memory_space<vmem>>
    %dma_wait3A_76 = arith.constant 0 : i32
    %dma_wait3A_77 = tpu.memref_slice %arg8[%dma_wait3A_72, %dma_wait3A_76] : memref<4x128xi32, #tpu.memory_space<vmem>> -> memref<1x128xi32, #tpu.memory_space<vmem>>
    %dma_wait3A_78 = tpu.memref_squeeze %dma_wait3A_77 : memref<1x128xi32, #tpu.memory_space<vmem>> -> memref<128xi32, #tpu.memory_space<vmem>>
    %dma_wait3A_79 = arith.constant 0 : i32
    %dma_wait3A_80 = arith.constant 0 : i32
    %dma_wait3A_81 = tpu.memref_slice %arg3[%dma_wait3A_79, %dma_wait3A_80] : memref<1000000x64xi8, #tpu.memory_space<hbm>> -> memref<1000000x64xi8, #tpu.memory_space<hbm>>
    tpu.wait_indirect_dma semaphore(%arg13 : memref<!tpu.dma_semaphore, #tpu.memory_space<semaphore_mem>>) src(%dma_wait3A_81 : memref<1000000x64xi8, #tpu.memory_space<hbm>>) dst(%dma_wait3A_75 : memref<128x64xi8, #tpu.memory_space<vmem>>)
    %dma_wait3A_82 = arith.constant 3 : i32
    %dma_wait3A_83 = arith.constant 384 : i32
    %dma_wait3A_84 = arith.constant 0 : i32
    %dma_wait3A_85 = tpu.memref_slice %arg9[%dma_wait3A_83, %dma_wait3A_84] : memref<512x64xi8, #tpu.memory_space<vmem>> -> memref<128x64xi8, #tpu.memory_space<vmem>>
    %dma_wait3A_86 = arith.constant 0 : i32
    %dma_wait3A_87 = tpu.memref_slice %arg8[%dma_wait3A_82, %dma_wait3A_86] : memref<4x128xi32, #tpu.memory_space<vmem>> -> memref<1x128xi32, #tpu.memory_space<vmem>>
    %dma_wait3A_88 = tpu.memref_squeeze %dma_wait3A_87 : memref<1x128xi32, #tpu.memory_space<vmem>> -> memref<128xi32, #tpu.memory_space<vmem>>
    %dma_wait3A_89 = arith.constant 0 : i32
    %dma_wait3A_90 = arith.constant 0 : i32
    %dma_wait3A_91 = tpu.memref_slice %arg3[%dma_wait3A_89, %dma_wait3A_90] : memref<1000000x64xi8, #tpu.memory_space<hbm>> -> memref<1000000x64xi8, #tpu.memory_space<hbm>>
    tpu.wait_indirect_dma semaphore(%arg13 : memref<!tpu.dma_semaphore, #tpu.memory_space<semaphore_mem>>) src(%dma_wait3A_91 : memref<1000000x64xi8, #tpu.memory_space<hbm>>) dst(%dma_wait3A_85 : memref<128x64xi8, #tpu.memory_space<vmem>>)
    %iota3A = tpu.iota {dimensions = array<i32: 0>} : vector<16xi32>
    %scan3A = arith.constant 0 : i32
    %scan3A_92 = arith.constant 0 : i32
    %scan3A_93 = arith.constant 32 : i32
    %scan3A_94 = arith.addi %scan3A_92, %scan3A_93 : i32
    %scan3A_95 = arith.constant 1 : i32
    %scan3A_96 = scf.for %scan3A_98 = %scan3A_92 to %scan3A_94 step %scan3A_95 iter_args(%scan3A_99 = %scan3A) -> (i32)  : i32 {
      %mul3A_100 = arith.constant 16 : i32
      %mul3A_101 = arith.muli %scan3A_98, %mul3A_100 : i32
      %add3A_102 = vector.broadcast %mul3A_101 : i32 to vector<16xi32>
      %add3A_103 = arith.addi %add3A_102, %iota3A : vector<16xi32>
      %gather3A = tpu.vector_load_idx %arg7[%add3A_103] : memref<512xi32, #tpu.memory_space<vmem>>[vector<16xi32>], vector<16xi32>,
      %shift_right_logical3A = arith.constant 6 : i32
      %shift_right_logical3A_104 = vector.broadcast %shift_right_logical3A : i32 to vector<16xi32>
      %shift_right_logical3A_105 = arith.shrui %gather3A, %shift_right_logical3A_104 : vector<16xi32>
      %gather3A_106 = tpu.vector_load_idx %arg10[%shift_right_logical3A_105] : memref<15625xf32, #tpu.memory_space<vmem>>[vector<16xi32>], vector<16xf32>,
      %add3A_107 = arith.constant 0 : i32
      %add3A_108 = arith.addi %mul3A_101, %add3A_107 : i32
      %get3A = arith.index_cast %add3A_108 : i32 to index
      %get3A_109 = arith.constant 0 : index
      %get3A_110 = tpu.vector_load %arg9[%get3A, %get3A_109] {strides = array<i32>} : memref<512x64xi8, #tpu.memory_space<vmem>>, vector<64xi8>,
      %bitcast3A = vector.bitcast %get3A_110 : vector<64xi8> to vector<16xi32>
      %slice3A = vector.extract_strided_slice %gather3A_106 {offsets = [0], sizes = [1], strides = [1]} : vector<16xf32> to vector<1xf32>
      %squeeze3A = vector.extract %slice3A[0] : f32 from vector<1xf32>
      %broadcast_in_dim3A = vector.broadcast %squeeze3A : f32 to vector<16xf32>
      %broadcast_in_dim3A_111 = vector.broadcast %add3A_108 : i32 to vector<16xi32>
      %and3A = arith.constant 255 : i32
      %and3A_112 = vector.broadcast %and3A : i32 to vector<16xi32>
      %and3A_113 = arith.andi %bitcast3A, %and3A_112 : vector<16xi32>
      %gather3A_114 = tpu.vector_load_idx %arg11[%and3A_113] : memref<256xf32, #tpu.memory_space<vmem>>[vector<16xi32>], vector<16xf32>,
      %mul3A_115 = arith.mulf %gather3A_114, %broadcast_in_dim3A : vector<16xf32>
      %mul3A_116 = arith.constant 4 : i32
      %mul3A_117 = vector.broadcast %mul3A_116 : i32 to vector<16xi32>
      %mul3A_118 = arith.muli %mul3A_117, %iota3A : vector<16xi32>
      %add3A_119 = arith.constant 0 : i32
      %add3A_120 = vector.broadcast %add3A_119 : i32 to vector<16xi32>
      %add3A_121 = arith.addi %mul3A_118, %add3A_120 : vector<16xi32>
      tpu.vector_store_idx %arg12[%broadcast_in_dim3A_111, %add3A_121], %mul3A_115 : memref<512x64xf32, #tpu.memory_space<vmem>>[vector<16xi32>, vector<16xi32>], vector<16xf32>,
      %shift_right_logical3A_122 = arith.constant 8 : i32
      %shift_right_logical3A_123 = vector.broadcast %shift_right_logical3A_122 : i32 to vector<16xi32>
      %shift_right_logical3A_124 = arith.shrui %bitcast3A, %shift_right_logical3A_123 : vector<16xi32>
      %and3A_125 = arith.constant 255 : i32
      %and3A_126 = vector.broadcast %and3A_125 : i32 to vector<16xi32>
      %and3A_127 = arith.andi %shift_right_logical3A_124, %and3A_126 : vector<16xi32>
      %gather3A_128 = tpu.vector_load_idx %arg11[%and3A_127] : memref<256xf32, #tpu.memory_space<vmem>>[vector<16xi32>], vector<16xf32>,
      %mul3A_129 = arith.mulf %gather3A_128, %broadcast_in_dim3A : vector<16xf32>
      %mul3A_130 = arith.constant 4 : i32
      %mul3A_131 = vector.broadcast %mul3A_130 : i32 to vector<16xi32>
      %mul3A_132 = arith.muli %mul3A_131, %iota3A : vector<16xi32>
      %add3A_133 = arith.constant 1 : i32
      %add3A_134 = vector.broadcast %add3A_133 : i32 to vector<16xi32>
      %add3A_135 = arith.addi %mul3A_132, %add3A_134 : vector<16xi32>
      tpu.vector_store_idx %arg12[%broadcast_in_dim3A_111, %add3A_135], %mul3A_129 : memref<512x64xf32, #tpu.memory_space<vmem>>[vector<16xi32>, vector<16xi32>], vector<16xf32>,
      %shift_right_logical3A_136 = arith.constant 16 : i32
      %shift_right_logical3A_137 = vector.broadcast %shift_right_logical3A_136 : i32 to vector<16xi32>
      %shift_right_logical3A_138 = arith.shrui %bitcast3A, %shift_right_logical3A_137 : vector<16xi32>
      %and3A_139 = arith.constant 255 : i32
      %and3A_140 = vector.broadcast %and3A_139 : i32 to vector<16xi32>
      %and3A_141 = arith.andi %shift_right_logical3A_138, %and3A_140 : vector<16xi32>
      %gather3A_142 = tpu.vector_load_idx %arg11[%and3A_141] : memref<256xf32, #tpu.memory_space<vmem>>[vector<16xi32>], vector<16xf32>,
      %mul3A_143 = arith.mulf %gather3A_142, %broadcast_in_dim3A : vector<16xf32>
      %mul3A_144 = arith.constant 4 : i32
      %mul3A_145 = vector.broadcast %mul3A_144 : i32 to vector<16xi32>
      %mul3A_146 = arith.muli %mul3A_145, %iota3A : vector<16xi32>
      %add3A_147 = arith.constant 2 : i32
      %add3A_148 = vector.broadcast %add3A_147 : i32 to vector<16xi32>
      %add3A_149 = arith.addi %mul3A_146, %add3A_148 : vector<16xi32>
      tpu.vector_store_idx %arg12[%broadcast_in_dim3A_111, %add3A_149], %mul3A_143 : memref<512x64xf32, #tpu.memory_space<vmem>>[vector<16xi32>, vector<16xi32>], vector<16xf32>,
      %shift_right_logical3A_150 = arith.constant 24 : i32
      %shift_right_logical3A_151 = vector.broadcast %shift_right_logical3A_150 : i32 to vector<16xi32>
      %shift_right_logical3A_152 = arith.shrui %bitcast3A, %shift_right_logical3A_151 : vector<16xi32>
      %and3A_153 = arith.constant 255 : i32
      %and3A_154 = vector.broadcast %and3A_153 : i32 to vector<16xi32>
      %and3A_155 = arith.andi %shift_right_logical3A_152, %and3A_154 : vector<16xi32>
      %gather3A_156 = tpu.vector_load_idx %arg11[%and3A_155] : memref<256xf32, #tpu.memory_space<vmem>>[vector<16xi32>], vector<16xf32>,
      %mul3A_157 = arith.mulf %gather3A_156, %broadcast_in_dim3A : vector<16xf32>
      %mul3A_158 = arith.constant 4 : i32
      %mul3A_159 = vector.broadcast %mul3A_158 : i32 to vector<16xi32>
      %mul3A_160 = arith.muli %mul3A_159, %iota3A : vector<16xi32>
      %add3A_161 = arith.constant 3 : i32
      %add3A_162 = vector.broadcast %add3A_161 : i32 to vector<16xi32>
      %add3A_163 = arith.addi %mul3A_160, %add3A_162 : vector<16xi32>
      tpu.vector_store_idx %arg12[%broadcast_in_dim3A_111, %add3A_163], %mul3A_157 : memref<512x64xf32, #tpu.memory_space<vmem>>[vector<16xi32>, vector<16xi32>], vector<16xf32>,
      %add3A_164 = arith.constant 1 : i32
      %add3A_165 = arith.addi %mul3A_101, %add3A_164 : i32
      %get3A_166 = arith.index_cast %add3A_165 : i32 to index
      %get3A_167 = arith.constant 0 : index
      %get3A_168 = tpu.vector_load %arg9[%get3A_166, %get3A_167] {strides = array<i32>} : memref<512x64xi8, #tpu.memory_space<vmem>>, vector<64xi8>,
      %bitcast3A_169 = vector.bitcast %get3A_168 : vector<64xi8> to vector<16xi32>
      %slice3A_170 = vector.extract_strided_slice %gather3A_106 {offsets = [1], sizes = [1], strides = [1]} : vector<16xf32> to vector<1xf32>
      %squeeze3A_171 = vector.extract %slice3A_170[0] : f32 from vector<1xf32>
      %broadcast_in_dim3A_172 = vector.broadcast %squeeze3A_171 : f32 to vector<16xf32>
      %broadcast_in_dim3A_173 = vector.broadcast %add3A_165 : i32 to vector<16xi32>
      %and3A_174 = arith.constant 255 : i32
      %and3A_175 = vector.broadcast %and3A_174 : i32 to vector<16xi32>
      %and3A_176 = arith.andi %bitcast3A_169, %and3A_175 : vector<16xi32>
      %gather3A_177 = tpu.vector_load_idx %arg11[%and3A_176] : memref<256xf32, #tpu.memory_space<vmem>>[vector<16xi32>], vector<16xf32>,
      %mul3A_178 = arith.mulf %gather3A_177, %broadcast_in_dim3A_172 : vector<16xf32>
      %mul3A_179 = arith.constant 4 : i32
      %mul3A_180 = vector.broadcast %mul3A_179 : i32 to vector<16xi32>
      %mul3A_181 = arith.muli %mul3A_180, %iota3A : vector<16xi32>
      %add3A_182 = arith.constant 0 : i32
      %add3A_183 = vector.broadcast %add3A_182 : i32 to vector<16xi32>
      %add3A_184 = arith.addi %mul3A_181, %add3A_183 : vector<16xi32>
      tpu.vector_store_idx %arg12[%broadcast_in_dim3A_173, %add3A_184], %mul3A_178 : memref<512x64xf32, #tpu.memory_space<vmem>>[vector<16xi32>, vector<16xi32>], vector<16xf32>,
      %shift_right_logical3A_185 = arith.constant 8 : i32
      %shift_right_logical3A_186 = vector.broadcast %shift_right_logical3A_185 : i32 to vector<16xi32>
      %shift_right_logical3A_187 = arith.shrui %bitcast3A_169, %shift_right_logical3A_186 : vector<16xi32>
      %and3A_188 = arith.constant 255 : i32
      %and3A_189 = vector.broadcast %and3A_188 : i32 to vector<16xi32>
      %and3A_190 = arith.andi %shift_right_logical3A_187, %and3A_189 : vector<16xi32>
      %gather3A_191 = tpu.vector_load_idx %arg11[%and3A_190] : memref<256xf32, #tpu.memory_space<vmem>>[vector<16xi32>], vector<16xf32>,
      %mul3A_192 = arith.mulf %gather3A_191, %broadcast_in_dim3A_172 : vector<16xf32>
      %mul3A_193 = arith.constant 4 : i32
      %mul3A_194 = vector.broadcast %mul3A_193 : i32 to vector<16xi32>
      %mul3A_195 = arith.muli %mul3A_194, %iota3A : vector<16xi32>
      %add3A_196 = arith.constant 1 : i32
      %add3A_197 = vector.broadcast %add3A_196 : i32 to vector<16xi32>
      %add3A_198 = arith.addi %mul3A_195, %add3A_197 : vector<16xi32>
      tpu.vector_store_idx %arg12[%broadcast_in_dim3A_173, %add3A_198], %mul3A_192 : memref<512x64xf32, #tpu.memory_space<vmem>>[vector<16xi32>, vector<16xi32>], vector<16xf32>,
      %shift_right_logical3A_199 = arith.constant 16 : i32
      %shift_right_logical3A_200 = vector.broadcast %shift_right_logical3A_199 : i32 to vector<16xi32>
      %shift_right_logical3A_201 = arith.shrui %bitcast3A_169, %shift_right_logical3A_200 : vector<16xi32>
      %and3A_202 = arith.constant 255 : i32
      %and3A_203 = vector.broadcast %and3A_202 : i32 to vector<16xi32>
      %and3A_204 = arith.andi %shift_right_logical3A_201, %and3A_203 : vector<16xi32>
      %gather3A_205 = tpu.vector_load_idx %arg11[%and3A_204] : memref<256xf32, #tpu.memory_space<vmem>>[vector<16xi32>], vector<16xf32>,
      %mul3A_206 = arith.mulf %gather3A_205, %broadcast_in_dim3A_172 : vector<16xf32>
      %mul3A_207 = arith.constant 4 : i32
      %mul3A_208 = vector.broadcast %mul3A_207 : i32 to vector<16xi32>
      %mul3A_209 = arith.muli %mul3A_208, %iota3A : vector<16xi32>
      %add3A_210 = arith.constant 2 : i32
      %add3A_211 = vector.broadcast %add3A_210 : i32 to vector<16xi32>
      %add3A_212 = arith.addi %mul3A_209, %add3A_211 : vector<16xi32>
      tpu.vector_store_idx %arg12[%broadcast_in_dim3A_173, %add3A_212], %mul3A_206 : memref<512x64xf32, #tpu.memory_space<vmem>>[vector<16xi32>, vector<16xi32>], vector<16xf32>,
      %shift_right_logical3A_213 = arith.constant 24 : i32
      %shift_right_logical3A_214 = vector.broadcast %shift_right_logical3A_213 : i32 to vector<16xi32>
      %shift_right_logical3A_215 = arith.shrui %bitcast3A_169, %shift_right_logical3A_214 : vector<16xi32>
      %and3A_216 = arith.constant 255 : i32
      %and3A_217 = vector.broadcast %and3A_216 : i32 to vector<16xi32>
      %and3A_218 = arith.andi %shift_right_logical3A_215, %and3A_217 : vector<16xi32>
      %gather3A_219 = tpu.vector_load_idx %arg11[%and3A_218] : memref<256xf32, #tpu.memory_space<vmem>>[vector<16xi32>], vector<16xf32>,
      %mul3A_220 = arith.mulf %gather3A_219, %broadcast_in_dim3A_172 : vector<16xf32>
      %mul3A_221 = arith.constant 4 : i32
      %mul3A_222 = vector.broadcast %mul3A_221 : i32 to vector<16xi32>
      %mul3A_223 = arith.muli %mul3A_222, %iota3A : vector<16xi32>
      %add3A_224 = arith.constant 3 : i32
      %add3A_225 = vector.broadcast %add3A_224 : i32 to vector<16xi32>
      %add3A_226 = arith.addi %mul3A_223, %add3A_225 : vector<16xi32>
      tpu.vector_store_idx %arg12[%broadcast_in_dim3A_173, %add3A_226], %mul3A_220 : memref<512x64xf32, #tpu.memory_space<vmem>>[vector<16xi32>, vector<16xi32>], vector<16xf32>,
      %add3A_227 = arith.constant 2 : i32
      %add3A_228 = arith.addi %mul3A_101, %add3A_227 : i32
      %get3A_229 = arith.index_cast %add3A_228 : i32 to index
      %get3A_230 = arith.constant 0 : index
      %get3A_231 = tpu.vector_load %arg9[%get3A_229, %get3A_230] {strides = array<i32>} : memref<512x64xi8, #tpu.memory_space<vmem>>, vector<64xi8>,
      %bitcast3A_232 = vector.bitcast %get3A_231 : vector<64xi8> to vector<16xi32>
      %slice3A_233 = vector.extract_strided_slice %gather3A_106 {offsets = [2], sizes = [1], strides = [1]} : vector<16xf32> to vector<1xf32>
      %squeeze3A_234 = vector.extract %slice3A_233[0] : f32 from vector<1xf32>
      %broadcast_in_dim3A_235 = vector.broadcast %squeeze3A_234 : f32 to vector<16xf32>
      %broadcast_in_dim3A_236 = vector.broadcast %add3A_228 : i32 to vector<16xi32>
      %and3A_237 = arith.constant 255 : i32
      %and3A_238 = vector.broadcast %and3A_237 : i32 to vector<16xi32>
      %and3A_239 = arith.andi %bitcast3A_232, %and3A_238 : vector<16xi32>
      %gather3A_240 = tpu.vector_load_idx %arg11[%and3A_239] : memref<256xf32, #tpu.memory_space<vmem>>[vector<16xi32>], vector<16xf32>,
      %mul3A_241 = arith.mulf %gather3A_240, %broadcast_in_dim3A_235 : vector<16xf32>
      %mul3A_242 = arith.constant 4 : i32
      %mul3A_243 = vector.broadcast %mul3A_242 : i32 to vector<16xi32>
      %mul3A_244 = arith.muli %mul3A_243, %iota3A : vector<16xi32>
      %add3A_245 = arith.constant 0 : i32
      %add3A_246 = vector.broadcast %add3A_245 : i32 to vector<16xi32>
      %add3A_247 = arith.addi %mul3A_244, %add3A_246 : vector<16xi32>
      tpu.vector_store_idx %arg12[%broadcast_in_dim3A_236, %add3A_247], %mul3A_241 : memref<512x64xf32, #tpu.memory_space<vmem>>[vector<16xi32>, vector<16xi32>], vector<16xf32>,
      %shift_right_logical3A_248 = arith.constant 8 : i32
      %shift_right_logical3A_249 = vector.broadcast %shift_right_logical3A_248 : i32 to vector<16xi32>
      %shift_right_logical3A_250 = arith.shrui %bitcast3A_232, %shift_right_logical3A_249 : vector<16xi32>
      %and3A_251 = arith.constant 255 : i32
      %and3A_252 = vector.broadcast %and3A_251 : i32 to vector<16xi32>
      %and3A_253 = arith.andi %shift_right_logical3A_250, %and3A_252 : vector<16xi32>
      %gather3A_254 = tpu.vector_load_idx %arg11[%and3A_253] : memref<256xf32, #tpu.memory_space<vmem>>[vector<16xi32>], vector<16xf32>,
      %mul3A_255 = arith.mulf %gather3A_254, %broadcast_in_dim3A_235 : vector<16xf32>
      %mul3A_256 = arith.constant 4 : i32
      %mul3A_257 = vector.broadcast %mul3A_256 : i32 to vector<16xi32>
      %mul3A_258 = arith.muli %mul3A_257, %iota3A : vector<16xi32>
      %add3A_259 = arith.constant 1 : i32
      %add3A_260 = vector.broadcast %add3A_259 : i32 to vector<16xi32>
      %add3A_261 = arith.addi %mul3A_258, %add3A_260 : vector<16xi32>
      tpu.vector_store_idx %arg12[%broadcast_in_dim3A_236, %add3A_261], %mul3A_255 : memref<512x64xf32, #tpu.memory_space<vmem>>[vector<16xi32>, vector<16xi32>], vector<16xf32>,
      %shift_right_logical3A_262 = arith.constant 16 : i32
      %shift_right_logical3A_263 = vector.broadcast %shift_right_logical3A_262 : i32 to vector<16xi32>
      %shift_right_logical3A_264 = arith.shrui %bitcast3A_232, %shift_right_logical3A_263 : vector<16xi32>
      %and3A_265 = arith.constant 255 : i32
      %and3A_266 = vector.broadcast %and3A_265 : i32 to vector<16xi32>
      %and3A_267 = arith.andi %shift_right_logical3A_264, %and3A_266 : vector<16xi32>
      %gather3A_268 = tpu.vector_load_idx %arg11[%and3A_267] : memref<256xf32, #tpu.memory_space<vmem>>[vector<16xi32>], vector<16xf32>,
      %mul3A_269 = arith.mulf %gather3A_268, %broadcast_in_dim3A_235 : vector<16xf32>
      %mul3A_270 = arith.constant 4 : i32
      %mul3A_271 = vector.broadcast %mul3A_270 : i32 to vector<16xi32>
      %mul3A_272 = arith.muli %mul3A_271, %iota3A : vector<16xi32>
      %add3A_273 = arith.constant 2 : i32
      %add3A_274 = vector.broadcast %add3A_273 : i32 to vector<16xi32>
      %add3A_275 = arith.addi %mul3A_272, %add3A_274 : vector<16xi32>
      tpu.vector_store_idx %arg12[%broadcast_in_dim3A_236, %add3A_275], %mul3A_269 : memref<512x64xf32, #tpu.memory_space<vmem>>[vector<16xi32>, vector<16xi32>], vector<16xf32>,
      %shift_right_logical3A_276 = arith.constant 24 : i32
      %shift_right_logical3A_277 = vector.broadcast %shift_right_logical3A_276 : i32 to vector<16xi32>
      %shift_right_logical3A_278 = arith.shrui %bitcast3A_232, %shift_right_logical3A_277 : vector<16xi32>
      %and3A_279 = arith.constant 255 : i32
      %and3A_280 = vector.broadcast %and3A_279 : i32 to vector<16xi32>
      %and3A_281 = arith.andi %shift_right_logical3A_278, %and3A_280 : vector<16xi32>
      %gather3A_282 = tpu.vector_load_idx %arg11[%and3A_281] : memref<256xf32, #tpu.memory_space<vmem>>[vector<16xi32>], vector<16xf32>,
      %mul3A_283 = arith.mulf %gather3A_282, %broadcast_in_dim3A_235 : vector<16xf32>
      %mul3A_284 = arith.constant 4 : i32
      %mul3A_285 = vector.broadcast %mul3A_284 : i32 to vector<16xi32>
      %mul3A_286 = arith.muli %mul3A_285, %iota3A : vector<16xi32>
      %add3A_287 = arith.constant 3 : i32
      %add3A_288 = vector.broadcast %add3A_287 : i32 to vector<16xi32>
      %add3A_289 = arith.addi %mul3A_286, %add3A_288 : vector<16xi32>
      tpu.vector_store_idx %arg12[%broadcast_in_dim3A_236, %add3A_289], %mul3A_283 : memref<512x64xf32, #tpu.memory_space<vmem>>[vector<16xi32>, vector<16xi32>], vector<16xf32>,
      %add3A_290 = arith.constant 3 : i32
      %add3A_291 = arith.addi %mul3A_101, %add3A_290 : i32
      %get3A_292 = arith.index_cast %add3A_291 : i32 to index
      %get3A_293 = arith.constant 0 : index
      %get3A_294 = tpu.vector_load %arg9[%get3A_292, %get3A_293] {strides = array<i32>} : memref<512x64xi8, #tpu.memory_space<vmem>>, vector<64xi8>,
      %bitcast3A_295 = vector.bitcast %get3A_294 : vector<64xi8> to vector<16xi32>
      %slice3A_296 = vector.extract_strided_slice %gather3A_106 {offsets = [3], sizes = [1], strides = [1]} : vector<16xf32> to vector<1xf32>
      %squeeze3A_297 = vector.extract %slice3A_296[0] : f32 from vector<1xf32>
      %broadcast_in_dim3A_298 = vector.broadcast %squeeze3A_297 : f32 to vector<16xf32>
      %broadcast_in_dim3A_299 = vector.broadcast %add3A_291 : i32 to vector<16xi32>
      %and3A_300 = arith.constant 255 : i32
      %and3A_301 = vector.broadcast %and3A_300 : i32 to vector<16xi32>
      %and3A_302 = arith.andi %bitcast3A_295, %and3A_301 : vector<16xi32>
      %gather3A_303 = tpu.vector_load_idx %arg11[%and3A_302] : memref<256xf32, #tpu.memory_space<vmem>>[vector<16xi32>], vector<16xf32>,
      %mul3A_304 = arith.mulf %gather3A_303, %broadcast_in_dim3A_298 : vector<16xf32>
      %mul3A_305 = arith.constant 4 : i32
      %mul3A_306 = vector.broadcast %mul3A_305 : i32 to vector<16xi32>
      %mul3A_307 = arith.muli %mul3A_306, %iota3A : vector<16xi32>
      %add3A_308 = arith.constant 0 : i32
      %add3A_309 = vector.broadcast %add3A_308 : i32 to vector<16xi32>
      %add3A_310 = arith.addi %mul3A_307, %add3A_309 : vector<16xi32>
      tpu.vector_store_idx %arg12[%broadcast_in_dim3A_299, %add3A_310], %mul3A_304 : memref<512x64xf32, #tpu.memory_space<vmem>>[vector<16xi32>, vector<16xi32>], vector<16xf32>,
      %shift_right_logical3A_311 = arith.constant 8 : i32
      %shift_right_logical3A_312 = vector.broadcast %shift_right_logical3A_311 : i32 to vector<16xi32>
      %shift_right_logical3A_313 = arith.shrui %bitcast3A_295, %shift_right_logical3A_312 : vector<16xi32>
      %and3A_314 = arith.constant 255 : i32
      %and3A_315 = vector.broadcast %and3A_314 : i32 to vector<16xi32>
      %and3A_316 = arith.andi %shift_right_logical3A_313, %and3A_315 : vector<16xi32>
      %gather3A_317 = tpu.vector_load_idx %arg11[%and3A_316] : memref<256xf32, #tpu.memory_space<vmem>>[vector<16xi32>], vector<16xf32>,
      %mul3A_318 = arith.mulf %gather3A_317, %broadcast_in_dim3A_298 : vector<16xf32>
      %mul3A_319 = arith.constant 4 : i32
      %mul3A_320 = vector.broadcast %mul3A_319 : i32 to vector<16xi32>
      %mul3A_321 = arith.muli %mul3A_320, %iota3A : vector<16xi32>
      %add3A_322 = arith.constant 1 : i32
      %add3A_323 = vector.broadcast %add3A_322 : i32 to vector<16xi32>
      %add3A_324 = arith.addi %mul3A_321, %add3A_323 : vector<16xi32>
      tpu.vector_store_idx %arg12[%broadcast_in_dim3A_299, %add3A_324], %mul3A_318 : memref<512x64xf32, #tpu.memory_space<vmem>>[vector<16xi32>, vector<16xi32>], vector<16xf32>,
      %shift_right_logical3A_325 = arith.constant 16 : i32
      %shift_right_logical3A_326 = vector.broadcast %shift_right_logical3A_325 : i32 to vector<16xi32>
      %shift_right_logical3A_327 = arith.shrui %bitcast3A_295, %shift_right_logical3A_326 : vector<16xi32>
      %and3A_328 = arith.constant 255 : i32
      %and3A_329 = vector.broadcast %and3A_328 : i32 to vector<16xi32>
      %and3A_330 = arith.andi %shift_right_logical3A_327, %and3A_329 : vector<16xi32>
      %gather3A_331 = tpu.vector_load_idx %arg11[%and3A_330] : memref<256xf32, #tpu.memory_space<vmem>>[vector<16xi32>], vector<16xf32>,
      %mul3A_332 = arith.mulf %gather3A_331, %broadcast_in_dim3A_298 : vector<16xf32>
      %mul3A_333 = arith.constant 4 : i32
      %mul3A_334 = vector.broadcast %mul3A_333 : i32 to vector<16xi32>
      %mul3A_335 = arith.muli %mul3A_334, %iota3A : vector<16xi32>
      %add3A_336 = arith.constant 2 : i32
      %add3A_337 = vector.broadcast %add3A_336 : i32 to vector<16xi32>
      %add3A_338 = arith.addi %mul3A_335, %add3A_337 : vector<16xi32>
      tpu.vector_store_idx %arg12[%broadcast_in_dim3A_299, %add3A_338], %mul3A_332 : memref<512x64xf32, #tpu.memory_space<vmem>>[vector<16xi32>, vector<16xi32>], vector<16xf32>,
      %shift_right_logical3A_339 = arith.constant 24 : i32
      %shift_right_logical3A_340 = vector.broadcast %shift_right_logical3A_339 : i32 to vector<16xi32>
      %shift_right_logical3A_341 = arith.shrui %bitcast3A_295, %shift_right_logical3A_340 : vector<16xi32>
      %and3A_342 = arith.constant 255 : i32
      %and3A_343 = vector.broadcast %and3A_342 : i32 to vector<16xi32>
      %and3A_344 = arith.andi %shift_right_logical3A_341, %and3A_343 : vector<16xi32>
      %gather3A_345 = tpu.vector_load_idx %arg11[%and3A_344] : memref<256xf32, #tpu.memory_space<vmem>>[vector<16xi32>], vector<16xf32>,
      %mul3A_346 = arith.mulf %gather3A_345, %broadcast_in_dim3A_298 : vector<16xf32>
      %mul3A_347 = arith.constant 4 : i32
      %mul3A_348 = vector.broadcast %mul3A_347 : i32 to vector<16xi32>
      %mul3A_349 = arith.muli %mul3A_348, %iota3A : vector<16xi32>
      %add3A_350 = arith.constant 3 : i32
      %add3A_351 = vector.broadcast %add3A_350 : i32 to vector<16xi32>
      %add3A_352 = arith.addi %mul3A_349, %add3A_351 : vector<16xi32>
      tpu.vector_store_idx %arg12[%broadcast_in_dim3A_299, %add3A_352], %mul3A_346 : memref<512x64xf32, #tpu.memory_space<vmem>>[vector<16xi32>, vector<16xi32>], vector<16xf32>,
      %add3A_353 = arith.constant 4 : i32
      %add3A_354 = arith.addi %mul3A_101, %add3A_353 : i32
      %get3A_355 = arith.index_cast %add3A_354 : i32 to index
      %get3A_356 = arith.constant 0 : index
      %get3A_357 = tpu.vector_load %arg9[%get3A_355, %get3A_356] {strides = array<i32>} : memref<512x64xi8, #tpu.memory_space<vmem>>, vector<64xi8>,
      %bitcast3A_358 = vector.bitcast %get3A_357 : vector<64xi8> to vector<16xi32>
      %slice3A_359 = vector.extract_strided_slice %gather3A_106 {offsets = [4], sizes = [1], strides = [1]} : vector<16xf32> to vector<1xf32>
      %squeeze3A_360 = vector.extract %slice3A_359[0] : f32 from vector<1xf32>
      %broadcast_in_dim3A_361 = vector.broadcast %squeeze3A_360 : f32 to vector<16xf32>
      %broadcast_in_dim3A_362 = vector.broadcast %add3A_354 : i32 to vector<16xi32>
      %and3A_363 = arith.constant 255 : i32
      %and3A_364 = vector.broadcast %and3A_363 : i32 to vector<16xi32>
      %and3A_365 = arith.andi %bitcast3A_358, %and3A_364 : vector<16xi32>
      %gather3A_366 = tpu.vector_load_idx %arg11[%and3A_365] : memref<256xf32, #tpu.memory_space<vmem>>[vector<16xi32>], vector<16xf32>,
      %mul3A_367 = arith.mulf %gather3A_366, %broadcast_in_dim3A_361 : vector<16xf32>
      %mul3A_368 = arith.constant 4 : i32
      %mul3A_369 = vector.broadcast %mul3A_368 : i32 to vector<16xi32>
      %mul3A_370 = arith.muli %mul3A_369, %iota3A : vector<16xi32>
      %add3A_371 = arith.constant 0 : i32
      %add3A_372 = vector.broadcast %add3A_371 : i32 to vector<16xi32>
      %add3A_373 = arith.addi %mul3A_370, %add3A_372 : vector<16xi32>
      tpu.vector_store_idx %arg12[%broadcast_in_dim3A_362, %add3A_373], %mul3A_367 : memref<512x64xf32, #tpu.memory_space<vmem>>[vector<16xi32>, vector<16xi32>], vector<16xf32>,
      %shift_right_logical3A_374 = arith.constant 8 : i32
      %shift_right_logical3A_375 = vector.broadcast %shift_right_logical3A_374 : i32 to vector<16xi32>
      %shift_right_logical3A_376 = arith.shrui %bitcast3A_358, %shift_right_logical3A_375 : vector<16xi32>
      %and3A_377 = arith.constant 255 : i32
      %and3A_378 = vector.broadcast %and3A_377 : i32 to vector<16xi32>
      %and3A_379 = arith.andi %shift_right_logical3A_376, %and3A_378 : vector<16xi32>
      %gather3A_380 = tpu.vector_load_idx %arg11[%and3A_379] : memref<256xf32, #tpu.memory_space<vmem>>[vector<16xi32>], vector<16xf32>,
      %mul3A_381 = arith.mulf %gather3A_380, %broadcast_in_dim3A_361 : vector<16xf32>
      %mul3A_382 = arith.constant 4 : i32
      %mul3A_383 = vector.broadcast %mul3A_382 : i32 to vector<16xi32>
      %mul3A_384 = arith.muli %mul3A_383, %iota3A : vector<16xi32>
      %add3A_385 = arith.constant 1 : i32
      %add3A_386 = vector.broadcast %add3A_385 : i32 to vector<16xi32>
      %add3A_387 = arith.addi %mul3A_384, %add3A_386 : vector<16xi32>
      tpu.vector_store_idx %arg12[%broadcast_in_dim3A_362, %add3A_387], %mul3A_381 : memref<512x64xf32, #tpu.memory_space<vmem>>[vector<16xi32>, vector<16xi32>], vector<16xf32>,
      %shift_right_logical3A_388 = arith.constant 16 : i32
      %shift_right_logical3A_389 = vector.broadcast %shift_right_logical3A_388 : i32 to vector<16xi32>
      %shift_right_logical3A_390 = arith.shrui %bitcast3A_358, %shift_right_logical3A_389 : vector<16xi32>
      %and3A_391 = arith.constant 255 : i32
      %and3A_392 = vector.broadcast %and3A_391 : i32 to vector<16xi32>
      %and3A_393 = arith.andi %shift_right_logical3A_390, %and3A_392 : vector<16xi32>
      %gather3A_394 = tpu.vector_load_idx %arg11[%and3A_393] : memref<256xf32, #tpu.memory_space<vmem>>[vector<16xi32>], vector<16xf32>,
      %mul3A_395 = arith.mulf %gather3A_394, %broadcast_in_dim3A_361 : vector<16xf32>
      %mul3A_396 = arith.constant 4 : i32
      %mul3A_397 = vector.broadcast %mul3A_396 : i32 to vector<16xi32>
      %mul3A_398 = arith.muli %mul3A_397, %iota3A : vector<16xi32>
      %add3A_399 = arith.constant 2 : i32
      %add3A_400 = vector.broadcast %add3A_399 : i32 to vector<16xi32>
      %add3A_401 = arith.addi %mul3A_398, %add3A_400 : vector<16xi32>
      tpu.vector_store_idx %arg12[%broadcast_in_dim3A_362, %add3A_401], %mul3A_395 : memref<512x64xf32, #tpu.memory_space<vmem>>[vector<16xi32>, vector<16xi32>], vector<16xf32>,
      %shift_right_logical3A_402 = arith.constant 24 : i32
      %shift_right_logical3A_403 = vector.broadcast %shift_right_logical3A_402 : i32 to vector<16xi32>
      %shift_right_logical3A_404 = arith.shrui %bitcast3A_358, %shift_right_logical3A_403 : vector<16xi32>
      %and3A_405 = arith.constant 255 : i32
      %and3A_406 = vector.broadcast %and3A_405 : i32 to vector<16xi32>
      %and3A_407 = arith.andi %shift_right_logical3A_404, %and3A_406 : vector<16xi32>
      %gather3A_408 = tpu.vector_load_idx %arg11[%and3A_407] : memref<256xf32, #tpu.memory_space<vmem>>[vector<16xi32>], vector<16xf32>,
      %mul3A_409 = arith.mulf %gather3A_408, %broadcast_in_dim3A_361 : vector<16xf32>
      %mul3A_410 = arith.constant 4 : i32
      %mul3A_411 = vector.broadcast %mul3A_410 : i32 to vector<16xi32>
      %mul3A_412 = arith.muli %mul3A_411, %iota3A : vector<16xi32>
      %add3A_413 = arith.constant 3 : i32
      %add3A_414 = vector.broadcast %add3A_413 : i32 to vector<16xi32>
      %add3A_415 = arith.addi %mul3A_412, %add3A_414 : vector<16xi32>
      tpu.vector_store_idx %arg12[%broadcast_in_dim3A_362, %add3A_415], %mul3A_409 : memref<512x64xf32, #tpu.memory_space<vmem>>[vector<16xi32>, vector<16xi32>], vector<16xf32>,
      %add3A_416 = arith.constant 5 : i32
      %add3A_417 = arith.addi %mul3A_101, %add3A_416 : i32
      %get3A_418 = arith.index_cast %add3A_417 : i32 to index
      %get3A_419 = arith.constant 0 : index
      %get3A_420 = tpu.vector_load %arg9[%get3A_418, %get3A_419] {strides = array<i32>} : memref<512x64xi8, #tpu.memory_space<vmem>>, vector<64xi8>,
      %bitcast3A_421 = vector.bitcast %get3A_420 : vector<64xi8> to vector<16xi32>
      %slice3A_422 = vector.extract_strided_slice %gather3A_106 {offsets = [5], sizes = [1], strides = [1]} : vector<16xf32> to vector<1xf32>
      %squeeze3A_423 = vector.extract %slice3A_422[0] : f32 from vector<1xf32>
      %broadcast_in_dim3A_424 = vector.broadcast %squeeze3A_423 : f32 to vector<16xf32>
      %broadcast_in_dim3A_425 = vector.broadcast %add3A_417 : i32 to vector<16xi32>
      %and3A_426 = arith.constant 255 : i32
      %and3A_427 = vector.broadcast %and3A_426 : i32 to vector<16xi32>
      %and3A_428 = arith.andi %bitcast3A_421, %and3A_427 : vector<16xi32>
      %gather3A_429 = tpu.vector_load_idx %arg11[%and3A_428] : memref<256xf32, #tpu.memory_space<vmem>>[vector<16xi32>], vector<16xf32>,
      %mul3A_430 = arith.mulf %gather3A_429, %broadcast_in_dim3A_424 : vector<16xf32>
      %mul3A_431 = arith.constant 4 : i32
      %mul3A_432 = vector.broadcast %mul3A_431 : i32 to vector<16xi32>
      %mul3A_433 = arith.muli %mul3A_432, %iota3A : vector<16xi32>
      %add3A_434 = arith.constant 0 : i32
      %add3A_435 = vector.broadcast %add3A_434 : i32 to vector<16xi32>
      %add3A_436 = arith.addi %mul3A_433, %add3A_435 : vector<16xi32>
      tpu.vector_store_idx %arg12[%broadcast_in_dim3A_425, %add3A_436], %mul3A_430 : memref<512x64xf32, #tpu.memory_space<vmem>>[vector<16xi32>, vector<16xi32>], vector<16xf32>,
      %shift_right_logical3A_437 = arith.constant 8 : i32
      %shift_right_logical3A_438 = vector.broadcast %shift_right_logical3A_437 : i32 to vector<16xi32>
      %shift_right_logical3A_439 = arith.shrui %bitcast3A_421, %shift_right_logical3A_438 : vector<16xi32>
      %and3A_440 = arith.constant 255 : i32
      %and3A_441 = vector.broadcast %and3A_440 : i32 to vector<16xi32>
      %and3A_442 = arith.andi %shift_right_logical3A_439, %and3A_441 : vector<16xi32>
      %gather3A_443 = tpu.vector_load_idx %arg11[%and3A_442] : memref<256xf32, #tpu.memory_space<vmem>>[vector<16xi32>], vector<16xf32>,
      %mul3A_444 = arith.mulf %gather3A_443, %broadcast_in_dim3A_424 : vector<16xf32>
      %mul3A_445 = arith.constant 4 : i32
      %mul3A_446 = vector.broadcast %mul3A_445 : i32 to vector<16xi32>
      %mul3A_447 = arith.muli %mul3A_446, %iota3A : vector<16xi32>
      %add3A_448 = arith.constant 1 : i32
      %add3A_449 = vector.broadcast %add3A_448 : i32 to vector<16xi32>
      %add3A_450 = arith.addi %mul3A_447, %add3A_449 : vector<16xi32>
      tpu.vector_store_idx %arg12[%broadcast_in_dim3A_425, %add3A_450], %mul3A_444 : memref<512x64xf32, #tpu.memory_space<vmem>>[vector<16xi32>, vector<16xi32>], vector<16xf32>,
      %shift_right_logical3A_451 = arith.constant 16 : i32
      %shift_right_logical3A_452 = vector.broadcast %shift_right_logical3A_451 : i32 to vector<16xi32>
      %shift_right_logical3A_453 = arith.shrui %bitcast3A_421, %shift_right_logical3A_452 : vector<16xi32>
      %and3A_454 = arith.constant 255 : i32
      %and3A_455 = vector.broadcast %and3A_454 : i32 to vector<16xi32>
      %and3A_456 = arith.andi %shift_right_logical3A_453, %and3A_455 : vector<16xi32>
      %gather3A_457 = tpu.vector_load_idx %arg11[%and3A_456] : memref<256xf32, #tpu.memory_space<vmem>>[vector<16xi32>], vector<16xf32>,
      %mul3A_458 = arith.mulf %gather3A_457, %broadcast_in_dim3A_424 : vector<16xf32>
      %mul3A_459 = arith.constant 4 : i32
      %mul3A_460 = vector.broadcast %mul3A_459 : i32 to vector<16xi32>
      %mul3A_461 = arith.muli %mul3A_460, %iota3A : vector<16xi32>
      %add3A_462 = arith.constant 2 : i32
      %add3A_463 = vector.broadcast %add3A_462 : i32 to vector<16xi32>
      %add3A_464 = arith.addi %mul3A_461, %add3A_463 : vector<16xi32>
      tpu.vector_store_idx %arg12[%broadcast_in_dim3A_425, %add3A_464], %mul3A_458 : memref<512x64xf32, #tpu.memory_space<vmem>>[vector<16xi32>, vector<16xi32>], vector<16xf32>,
      %shift_right_logical3A_465 = arith.constant 24 : i32
      %shift_right_logical3A_466 = vector.broadcast %shift_right_logical3A_465 : i32 to vector<16xi32>
      %shift_right_logical3A_467 = arith.shrui %bitcast3A_421, %shift_right_logical3A_466 : vector<16xi32>
      %and3A_468 = arith.constant 255 : i32
      %and3A_469 = vector.broadcast %and3A_468 : i32 to vector<16xi32>
      %and3A_470 = arith.andi %shift_right_logical3A_467, %and3A_469 : vector<16xi32>
      %gather3A_471 = tpu.vector_load_idx %arg11[%and3A_470] : memref<256xf32, #tpu.memory_space<vmem>>[vector<16xi32>], vector<16xf32>,
      %mul3A_472 = arith.mulf %gather3A_471, %broadcast_in_dim3A_424 : vector<16xf32>
      %mul3A_473 = arith.constant 4 : i32
      %mul3A_474 = vector.broadcast %mul3A_473 : i32 to vector<16xi32>
      %mul3A_475 = arith.muli %mul3A_474, %iota3A : vector<16xi32>
      %add3A_476 = arith.constant 3 : i32
      %add3A_477 = vector.broadcast %add3A_476 : i32 to vector<16xi32>
      %add3A_478 = arith.addi %mul3A_475, %add3A_477 : vector<16xi32>
      tpu.vector_store_idx %arg12[%broadcast_in_dim3A_425, %add3A_478], %mul3A_472 : memref<512x64xf32, #tpu.memory_space<vmem>>[vector<16xi32>, vector<16xi32>], vector<16xf32>,
      %add3A_479 = arith.constant 6 : i32
      %add3A_480 = arith.addi %mul3A_101, %add3A_479 : i32
      %get3A_481 = arith.index_cast %add3A_480 : i32 to index
      %get3A_482 = arith.constant 0 : index
      %get3A_483 = tpu.vector_load %arg9[%get3A_481, %get3A_482] {strides = array<i32>} : memref<512x64xi8, #tpu.memory_space<vmem>>, vector<64xi8>,
      %bitcast3A_484 = vector.bitcast %get3A_483 : vector<64xi8> to vector<16xi32>
      %slice3A_485 = vector.extract_strided_slice %gather3A_106 {offsets = [6], sizes = [1], strides = [1]} : vector<16xf32> to vector<1xf32>
      %squeeze3A_486 = vector.extract %slice3A_485[0] : f32 from vector<1xf32>
      %broadcast_in_dim3A_487 = vector.broadcast %squeeze3A_486 : f32 to vector<16xf32>
      %broadcast_in_dim3A_488 = vector.broadcast %add3A_480 : i32 to vector<16xi32>
      %and3A_489 = arith.constant 255 : i32
      %and3A_490 = vector.broadcast %and3A_489 : i32 to vector<16xi32>
      %and3A_491 = arith.andi %bitcast3A_484, %and3A_490 : vector<16xi32>
      %gather3A_492 = tpu.vector_load_idx %arg11[%and3A_491] : memref<256xf32, #tpu.memory_space<vmem>>[vector<16xi32>], vector<16xf32>,
      %mul3A_493 = arith.mulf %gather3A_492, %broadcast_in_dim3A_487 : vector<16xf32>
      %mul3A_494 = arith.constant 4 : i32
      %mul3A_495 = vector.broadcast %mul3A_494 : i32 to vector<16xi32>
      %mul3A_496 = arith.muli %mul3A_495, %iota3A : vector<16xi32>
      %add3A_497 = arith.constant 0 : i32
      %add3A_498 = vector.broadcast %add3A_497 : i32 to vector<16xi32>
      %add3A_499 = arith.addi %mul3A_496, %add3A_498 : vector<16xi32>
      tpu.vector_store_idx %arg12[%broadcast_in_dim3A_488, %add3A_499], %mul3A_493 : memref<512x64xf32, #tpu.memory_space<vmem>>[vector<16xi32>, vector<16xi32>], vector<16xf32>,
      %shift_right_logical3A_500 = arith.constant 8 : i32
      %shift_right_logical3A_501 = vector.broadcast %shift_right_logical3A_500 : i32 to vector<16xi32>
      %shift_right_logical3A_502 = arith.shrui %bitcast3A_484, %shift_right_logical3A_501 : vector<16xi32>
      %and3A_503 = arith.constant 255 : i32
      %and3A_504 = vector.broadcast %and3A_503 : i32 to vector<16xi32>
      %and3A_505 = arith.andi %shift_right_logical3A_502, %and3A_504 : vector<16xi32>
      %gather3A_506 = tpu.vector_load_idx %arg11[%and3A_505] : memref<256xf32, #tpu.memory_space<vmem>>[vector<16xi32>], vector<16xf32>,
      %mul3A_507 = arith.mulf %gather3A_506, %broadcast_in_dim3A_487 : vector<16xf32>
      %mul3A_508 = arith.constant 4 : i32
      %mul3A_509 = vector.broadcast %mul3A_508 : i32 to vector<16xi32>
      %mul3A_510 = arith.muli %mul3A_509, %iota3A : vector<16xi32>
      %add3A_511 = arith.constant 1 : i32
      %add3A_512 = vector.broadcast %add3A_511 : i32 to vector<16xi32>
      %add3A_513 = arith.addi %mul3A_510, %add3A_512 : vector<16xi32>
      tpu.vector_store_idx %arg12[%broadcast_in_dim3A_488, %add3A_513], %mul3A_507 : memref<512x64xf32, #tpu.memory_space<vmem>>[vector<16xi32>, vector<16xi32>], vector<16xf32>,
      %shift_right_logical3A_514 = arith.constant 16 : i32
      %shift_right_logical3A_515 = vector.broadcast %shift_right_logical3A_514 : i32 to vector<16xi32>
      %shift_right_logical3A_516 = arith.shrui %bitcast3A_484, %shift_right_logical3A_515 : vector<16xi32>
      %and3A_517 = arith.constant 255 : i32
      %and3A_518 = vector.broadcast %and3A_517 : i32 to vector<16xi32>
      %and3A_519 = arith.andi %shift_right_logical3A_516, %and3A_518 : vector<16xi32>
      %gather3A_520 = tpu.vector_load_idx %arg11[%and3A_519] : memref<256xf32, #tpu.memory_space<vmem>>[vector<16xi32>], vector<16xf32>,
      %mul3A_521 = arith.mulf %gather3A_520, %broadcast_in_dim3A_487 : vector<16xf32>
      %mul3A_522 = arith.constant 4 : i32
      %mul3A_523 = vector.broadcast %mul3A_522 : i32 to vector<16xi32>
      %mul3A_524 = arith.muli %mul3A_523, %iota3A : vector<16xi32>
      %add3A_525 = arith.constant 2 : i32
      %add3A_526 = vector.broadcast %add3A_525 : i32 to vector<16xi32>
      %add3A_527 = arith.addi %mul3A_524, %add3A_526 : vector<16xi32>
      tpu.vector_store_idx %arg12[%broadcast_in_dim3A_488, %add3A_527], %mul3A_521 : memref<512x64xf32, #tpu.memory_space<vmem>>[vector<16xi32>, vector<16xi32>], vector<16xf32>,
      %shift_right_logical3A_528 = arith.constant 24 : i32
      %shift_right_logical3A_529 = vector.broadcast %shift_right_logical3A_528 : i32 to vector<16xi32>
      %shift_right_logical3A_530 = arith.shrui %bitcast3A_484, %shift_right_logical3A_529 : vector<16xi32>
      %and3A_531 = arith.constant 255 : i32
      %and3A_532 = vector.broadcast %and3A_531 : i32 to vector<16xi32>
      %and3A_533 = arith.andi %shift_right_logical3A_530, %and3A_532 : vector<16xi32>
      %gather3A_534 = tpu.vector_load_idx %arg11[%and3A_533] : memref<256xf32, #tpu.memory_space<vmem>>[vector<16xi32>], vector<16xf32>,
      %mul3A_535 = arith.mulf %gather3A_534, %broadcast_in_dim3A_487 : vector<16xf32>
      %mul3A_536 = arith.constant 4 : i32
      %mul3A_537 = vector.broadcast %mul3A_536 : i32 to vector<16xi32>
      %mul3A_538 = arith.muli %mul3A_537, %iota3A : vector<16xi32>
      %add3A_539 = arith.constant 3 : i32
      %add3A_540 = vector.broadcast %add3A_539 : i32 to vector<16xi32>
      %add3A_541 = arith.addi %mul3A_538, %add3A_540 : vector<16xi32>
      tpu.vector_store_idx %arg12[%broadcast_in_dim3A_488, %add3A_541], %mul3A_535 : memref<512x64xf32, #tpu.memory_space<vmem>>[vector<16xi32>, vector<16xi32>], vector<16xf32>,
      %add3A_542 = arith.constant 7 : i32
      %add3A_543 = arith.addi %mul3A_101, %add3A_542 : i32
      %get3A_544 = arith.index_cast %add3A_543 : i32 to index
      %get3A_545 = arith.constant 0 : index
      %get3A_546 = tpu.vector_load %arg9[%get3A_544, %get3A_545] {strides = array<i32>} : memref<512x64xi8, #tpu.memory_space<vmem>>, vector<64xi8>,
      %bitcast3A_547 = vector.bitcast %get3A_546 : vector<64xi8> to vector<16xi32>
      %slice3A_548 = vector.extract_strided_slice %gather3A_106 {offsets = [7], sizes = [1], strides = [1]} : vector<16xf32> to vector<1xf32>
      %squeeze3A_549 = vector.extract %slice3A_548[0] : f32 from vector<1xf32>
      %broadcast_in_dim3A_550 = vector.broadcast %squeeze3A_549 : f32 to vector<16xf32>
      %broadcast_in_dim3A_551 = vector.broadcast %add3A_543 : i32 to vector<16xi32>
      %and3A_552 = arith.constant 255 : i32
      %and3A_553 = vector.broadcast %and3A_552 : i32 to vector<16xi32>
      %and3A_554 = arith.andi %bitcast3A_547, %and3A_553 : vector<16xi32>
      %gather3A_555 = tpu.vector_load_idx %arg11[%and3A_554] : memref<256xf32, #tpu.memory_space<vmem>>[vector<16xi32>], vector<16xf32>,
      %mul3A_556 = arith.mulf %gather3A_555, %broadcast_in_dim3A_550 : vector<16xf32>
      %mul3A_557 = arith.constant 4 : i32
      %mul3A_558 = vector.broadcast %mul3A_557 : i32 to vector<16xi32>
      %mul3A_559 = arith.muli %mul3A_558, %iota3A : vector<16xi32>
      %add3A_560 = arith.constant 0 : i32
      %add3A_561 = vector.broadcast %add3A_560 : i32 to vector<16xi32>
      %add3A_562 = arith.addi %mul3A_559, %add3A_561 : vector<16xi32>
      tpu.vector_store_idx %arg12[%broadcast_in_dim3A_551, %add3A_562], %mul3A_556 : memref<512x64xf32, #tpu.memory_space<vmem>>[vector<16xi32>, vector<16xi32>], vector<16xf32>,
      %shift_right_logical3A_563 = arith.constant 8 : i32
      %shift_right_logical3A_564 = vector.broadcast %shift_right_logical3A_563 : i32 to vector<16xi32>
      %shift_right_logical3A_565 = arith.shrui %bitcast3A_547, %shift_right_logical3A_564 : vector<16xi32>
      %and3A_566 = arith.constant 255 : i32
      %and3A_567 = vector.broadcast %and3A_566 : i32 to vector<16xi32>
      %and3A_568 = arith.andi %shift_right_logical3A_565, %and3A_567 : vector<16xi32>
      %gather3A_569 = tpu.vector_load_idx %arg11[%and3A_568] : memref<256xf32, #tpu.memory_space<vmem>>[vector<16xi32>], vector<16xf32>,
      %mul3A_570 = arith.mulf %gather3A_569, %broadcast_in_dim3A_550 : vector<16xf32>
      %mul3A_571 = arith.constant 4 : i32
      %mul3A_572 = vector.broadcast %mul3A_571 : i32 to vector<16xi32>
      %mul3A_573 = arith.muli %mul3A_572, %iota3A : vector<16xi32>
      %add3A_574 = arith.constant 1 : i32
      %add3A_575 = vector.broadcast %add3A_574 : i32 to vector<16xi32>
      %add3A_576 = arith.addi %mul3A_573, %add3A_575 : vector<16xi32>
      tpu.vector_store_idx %arg12[%broadcast_in_dim3A_551, %add3A_576], %mul3A_570 : memref<512x64xf32, #tpu.memory_space<vmem>>[vector<16xi32>, vector<16xi32>], vector<16xf32>,
      %shift_right_logical3A_577 = arith.constant 16 : i32
      %shift_right_logical3A_578 = vector.broadcast %shift_right_logical3A_577 : i32 to vector<16xi32>
      %shift_right_logical3A_579 = arith.shrui %bitcast3A_547, %shift_right_logical3A_578 : vector<16xi32>
      %and3A_580 = arith.constant 255 : i32
      %and3A_581 = vector.broadcast %and3A_580 : i32 to vector<16xi32>
      %and3A_582 = arith.andi %shift_right_logical3A_579, %and3A_581 : vector<16xi32>
      %gather3A_583 = tpu.vector_load_idx %arg11[%and3A_582] : memref<256xf32, #tpu.memory_space<vmem>>[vector<16xi32>], vector<16xf32>,
      %mul3A_584 = arith.mulf %gather3A_583, %broadcast_in_dim3A_550 : vector<16xf32>
      %mul3A_585 = arith.constant 4 : i32
      %mul3A_586 = vector.broadcast %mul3A_585 : i32 to vector<16xi32>
      %mul3A_587 = arith.muli %mul3A_586, %iota3A : vector<16xi32>
      %add3A_588 = arith.constant 2 : i32
      %add3A_589 = vector.broadcast %add3A_588 : i32 to vector<16xi32>
      %add3A_590 = arith.addi %mul3A_587, %add3A_589 : vector<16xi32>
      tpu.vector_store_idx %arg12[%broadcast_in_dim3A_551, %add3A_590], %mul3A_584 : memref<512x64xf32, #tpu.memory_space<vmem>>[vector<16xi32>, vector<16xi32>], vector<16xf32>,
      %shift_right_logical3A_591 = arith.constant 24 : i32
      %shift_right_logical3A_592 = vector.broadcast %shift_right_logical3A_591 : i32 to vector<16xi32>
      %shift_right_logical3A_593 = arith.shrui %bitcast3A_547, %shift_right_logical3A_592 : vector<16xi32>
      %and3A_594 = arith.constant 255 : i32
      %and3A_595 = vector.broadcast %and3A_594 : i32 to vector<16xi32>
      %and3A_596 = arith.andi %shift_right_logical3A_593, %and3A_595 : vector<16xi32>
      %gather3A_597 = tpu.vector_load_idx %arg11[%and3A_596] : memref<256xf32, #tpu.memory_space<vmem>>[vector<16xi32>], vector<16xf32>,
      %mul3A_598 = arith.mulf %gather3A_597, %broadcast_in_dim3A_550 : vector<16xf32>
      %mul3A_599 = arith.constant 4 : i32
      %mul3A_600 = vector.broadcast %mul3A_599 : i32 to vector<16xi32>
      %mul3A_601 = arith.muli %mul3A_600, %iota3A : vector<16xi32>
      %add3A_602 = arith.constant 3 : i32
      %add3A_603 = vector.broadcast %add3A_602 : i32 to vector<16xi32>
      %add3A_604 = arith.addi %mul3A_601, %add3A_603 : vector<16xi32>
      tpu.vector_store_idx %arg12[%broadcast_in_dim3A_551, %add3A_604], %mul3A_598 : memref<512x64xf32, #tpu.memory_space<vmem>>[vector<16xi32>, vector<16xi32>], vector<16xf32>,
      %add3A_605 = arith.constant 8 : i32
      %add3A_606 = arith.addi %mul3A_101, %add3A_605 : i32
      %get3A_607 = arith.index_cast %add3A_606 : i32 to index
      %get3A_608 = arith.constant 0 : index
      %get3A_609 = tpu.vector_load %arg9[%get3A_607, %get3A_608] {strides = array<i32>} : memref<512x64xi8, #tpu.memory_space<vmem>>, vector<64xi8>,
      %bitcast3A_610 = vector.bitcast %get3A_609 : vector<64xi8> to vector<16xi32>
      %slice3A_611 = vector.extract_strided_slice %gather3A_106 {offsets = [8], sizes = [1], strides = [1]} : vector<16xf32> to vector<1xf32>
      %squeeze3A_612 = vector.extract %slice3A_611[0] : f32 from vector<1xf32>
      %broadcast_in_dim3A_613 = vector.broadcast %squeeze3A_612 : f32 to vector<16xf32>
      %broadcast_in_dim3A_614 = vector.broadcast %add3A_606 : i32 to vector<16xi32>
      %and3A_615 = arith.constant 255 : i32
      %and3A_616 = vector.broadcast %and3A_615 : i32 to vector<16xi32>
      %and3A_617 = arith.andi %bitcast3A_610, %and3A_616 : vector<16xi32>
      %gather3A_618 = tpu.vector_load_idx %arg11[%and3A_617] : memref<256xf32, #tpu.memory_space<vmem>>[vector<16xi32>], vector<16xf32>,
      %mul3A_619 = arith.mulf %gather3A_618, %broadcast_in_dim3A_613 : vector<16xf32>
      %mul3A_620 = arith.constant 4 : i32
      %mul3A_621 = vector.broadcast %mul3A_620 : i32 to vector<16xi32>
      %mul3A_622 = arith.muli %mul3A_621, %iota3A : vector<16xi32>
      %add3A_623 = arith.constant 0 : i32
      %add3A_624 = vector.broadcast %add3A_623 : i32 to vector<16xi32>
      %add3A_625 = arith.addi %mul3A_622, %add3A_624 : vector<16xi32>
      tpu.vector_store_idx %arg12[%broadcast_in_dim3A_614, %add3A_625], %mul3A_619 : memref<512x64xf32, #tpu.memory_space<vmem>>[vector<16xi32>, vector<16xi32>], vector<16xf32>,
      %shift_right_logical3A_626 = arith.constant 8 : i32
      %shift_right_logical3A_627 = vector.broadcast %shift_right_logical3A_626 : i32 to vector<16xi32>
      %shift_right_logical3A_628 = arith.shrui %bitcast3A_610, %shift_right_logical3A_627 : vector<16xi32>
      %and3A_629 = arith.constant 255 : i32
      %and3A_630 = vector.broadcast %and3A_629 : i32 to vector<16xi32>
      %and3A_631 = arith.andi %shift_right_logical3A_628, %and3A_630 : vector<16xi32>
      %gather3A_632 = tpu.vector_load_idx %arg11[%and3A_631] : memref<256xf32, #tpu.memory_space<vmem>>[vector<16xi32>], vector<16xf32>,
      %mul3A_633 = arith.mulf %gather3A_632, %broadcast_in_dim3A_613 : vector<16xf32>
      %mul3A_634 = arith.constant 4 : i32
      %mul3A_635 = vector.broadcast %mul3A_634 : i32 to vector<16xi32>
      %mul3A_636 = arith.muli %mul3A_635, %iota3A : vector<16xi32>
      %add3A_637 = arith.constant 1 : i32
      %add3A_638 = vector.broadcast %add3A_637 : i32 to vector<16xi32>
      %add3A_639 = arith.addi %mul3A_636, %add3A_638 : vector<16xi32>
      tpu.vector_store_idx %arg12[%broadcast_in_dim3A_614, %add3A_639], %mul3A_633 : memref<512x64xf32, #tpu.memory_space<vmem>>[vector<16xi32>, vector<16xi32>], vector<16xf32>,
      %shift_right_logical3A_640 = arith.constant 16 : i32
      %shift_right_logical3A_641 = vector.broadcast %shift_right_logical3A_640 : i32 to vector<16xi32>
      %shift_right_logical3A_642 = arith.shrui %bitcast3A_610, %shift_right_logical3A_641 : vector<16xi32>
      %and3A_643 = arith.constant 255 : i32
      %and3A_644 = vector.broadcast %and3A_643 : i32 to vector<16xi32>
      %and3A_645 = arith.andi %shift_right_logical3A_642, %and3A_644 : vector<16xi32>
      %gather3A_646 = tpu.vector_load_idx %arg11[%and3A_645] : memref<256xf32, #tpu.memory_space<vmem>>[vector<16xi32>], vector<16xf32>,
      %mul3A_647 = arith.mulf %gather3A_646, %broadcast_in_dim3A_613 : vector<16xf32>
      %mul3A_648 = arith.constant 4 : i32
      %mul3A_649 = vector.broadcast %mul3A_648 : i32 to vector<16xi32>
      %mul3A_650 = arith.muli %mul3A_649, %iota3A : vector<16xi32>
      %add3A_651 = arith.constant 2 : i32
      %add3A_652 = vector.broadcast %add3A_651 : i32 to vector<16xi32>
      %add3A_653 = arith.addi %mul3A_650, %add3A_652 : vector<16xi32>
      tpu.vector_store_idx %arg12[%broadcast_in_dim3A_614, %add3A_653], %mul3A_647 : memref<512x64xf32, #tpu.memory_space<vmem>>[vector<16xi32>, vector<16xi32>], vector<16xf32>,
      %shift_right_logical3A_654 = arith.constant 24 : i32
      %shift_right_logical3A_655 = vector.broadcast %shift_right_logical3A_654 : i32 to vector<16xi32>
      %shift_right_logical3A_656 = arith.shrui %bitcast3A_610, %shift_right_logical3A_655 : vector<16xi32>
      %and3A_657 = arith.constant 255 : i32
      %and3A_658 = vector.broadcast %and3A_657 : i32 to vector<16xi32>
      %and3A_659 = arith.andi %shift_right_logical3A_656, %and3A_658 : vector<16xi32>
      %gather3A_660 = tpu.vector_load_idx %arg11[%and3A_659] : memref<256xf32, #tpu.memory_space<vmem>>[vector<16xi32>], vector<16xf32>,
      %mul3A_661 = arith.mulf %gather3A_660, %broadcast_in_dim3A_613 : vector<16xf32>
      %mul3A_662 = arith.constant 4 : i32
      %mul3A_663 = vector.broadcast %mul3A_662 : i32 to vector<16xi32>
      %mul3A_664 = arith.muli %mul3A_663, %iota3A : vector<16xi32>
      %add3A_665 = arith.constant 3 : i32
      %add3A_666 = vector.broadcast %add3A_665 : i32 to vector<16xi32>
      %add3A_667 = arith.addi %mul3A_664, %add3A_666 : vector<16xi32>
      tpu.vector_store_idx %arg12[%broadcast_in_dim3A_614, %add3A_667], %mul3A_661 : memref<512x64xf32, #tpu.memory_space<vmem>>[vector<16xi32>, vector<16xi32>], vector<16xf32>,
      %add3A_668 = arith.constant 9 : i32
      %add3A_669 = arith.addi %mul3A_101, %add3A_668 : i32
      %get3A_670 = arith.index_cast %add3A_669 : i32 to index
      %get3A_671 = arith.constant 0 : index
      %get3A_672 = tpu.vector_load %arg9[%get3A_670, %get3A_671] {strides = array<i32>} : memref<512x64xi8, #tpu.memory_space<vmem>>, vector<64xi8>,
      %bitcast3A_673 = vector.bitcast %get3A_672 : vector<64xi8> to vector<16xi32>
      %slice3A_674 = vector.extract_strided_slice %gather3A_106 {offsets = [9], sizes = [1], strides = [1]} : vector<16xf32> to vector<1xf32>
      %squeeze3A_675 = vector.extract %slice3A_674[0] : f32 from vector<1xf32>
      %broadcast_in_dim3A_676 = vector.broadcast %squeeze3A_675 : f32 to vector<16xf32>
      %broadcast_in_dim3A_677 = vector.broadcast %add3A_669 : i32 to vector<16xi32>
      %and3A_678 = arith.constant 255 : i32
      %and3A_679 = vector.broadcast %and3A_678 : i32 to vector<16xi32>
      %and3A_680 = arith.andi %bitcast3A_673, %and3A_679 : vector<16xi32>
      %gather3A_681 = tpu.vector_load_idx %arg11[%and3A_680] : memref<256xf32, #tpu.memory_space<vmem>>[vector<16xi32>], vector<16xf32>,
      %mul3A_682 = arith.mulf %gather3A_681, %broadcast_in_dim3A_676 : vector<16xf32>
      %mul3A_683 = arith.constant 4 : i32
      %mul3A_684 = vector.broadcast %mul3A_683 : i32 to vector<16xi32>
      %mul3A_685 = arith.muli %mul3A_684, %iota3A : vector<16xi32>
      %add3A_686 = arith.constant 0 : i32
      %add3A_687 = vector.broadcast %add3A_686 : i32 to vector<16xi32>
      %add3A_688 = arith.addi %mul3A_685, %add3A_687 : vector<16xi32>
      tpu.vector_store_idx %arg12[%broadcast_in_dim3A_677, %add3A_688], %mul3A_682 : memref<512x64xf32, #tpu.memory_space<vmem>>[vector<16xi32>, vector<16xi32>], vector<16xf32>,
      %shift_right_logical3A_689 = arith.constant 8 : i32
      %shift_right_logical3A_690 = vector.broadcast %shift_right_logical3A_689 : i32 to vector<16xi32>
      %shift_right_logical3A_691 = arith.shrui %bitcast3A_673, %shift_right_logical3A_690 : vector<16xi32>
      %and3A_692 = arith.constant 255 : i32
      %and3A_693 = vector.broadcast %and3A_692 : i32 to vector<16xi32>
      %and3A_694 = arith.andi %shift_right_logical3A_691, %and3A_693 : vector<16xi32>
      %gather3A_695 = tpu.vector_load_idx %arg11[%and3A_694] : memref<256xf32, #tpu.memory_space<vmem>>[vector<16xi32>], vector<16xf32>,
      %mul3A_696 = arith.mulf %gather3A_695, %broadcast_in_dim3A_676 : vector<16xf32>
      %mul3A_697 = arith.constant 4 : i32
      %mul3A_698 = vector.broadcast %mul3A_697 : i32 to vector<16xi32>
      %mul3A_699 = arith.muli %mul3A_698, %iota3A : vector<16xi32>
      %add3A_700 = arith.constant 1 : i32
      %add3A_701 = vector.broadcast %add3A_700 : i32 to vector<16xi32>
      %add3A_702 = arith.addi %mul3A_699, %add3A_701 : vector<16xi32>
      tpu.vector_store_idx %arg12[%broadcast_in_dim3A_677, %add3A_702], %mul3A_696 : memref<512x64xf32, #tpu.memory_space<vmem>>[vector<16xi32>, vector<16xi32>], vector<16xf32>,
      %shift_right_logical3A_703 = arith.constant 16 : i32
      %shift_right_logical3A_704 = vector.broadcast %shift_right_logical3A_703 : i32 to vector<16xi32>
      %shift_right_logical3A_705 = arith.shrui %bitcast3A_673, %shift_right_logical3A_704 : vector<16xi32>
      %and3A_706 = arith.constant 255 : i32
      %and3A_707 = vector.broadcast %and3A_706 : i32 to vector<16xi32>
      %and3A_708 = arith.andi %shift_right_logical3A_705, %and3A_707 : vector<16xi32>
      %gather3A_709 = tpu.vector_load_idx %arg11[%and3A_708] : memref<256xf32, #tpu.memory_space<vmem>>[vector<16xi32>], vector<16xf32>,
      %mul3A_710 = arith.mulf %gather3A_709, %broadcast_in_dim3A_676 : vector<16xf32>
      %mul3A_711 = arith.constant 4 : i32
      %mul3A_712 = vector.broadcast %mul3A_711 : i32 to vector<16xi32>
      %mul3A_713 = arith.muli %mul3A_712, %iota3A : vector<16xi32>
      %add3A_714 = arith.constant 2 : i32
      %add3A_715 = vector.broadcast %add3A_714 : i32 to vector<16xi32>
      %add3A_716 = arith.addi %mul3A_713, %add3A_715 : vector<16xi32>
      tpu.vector_store_idx %arg12[%broadcast_in_dim3A_677, %add3A_716], %mul3A_710 : memref<512x64xf32, #tpu.memory_space<vmem>>[vector<16xi32>, vector<16xi32>], vector<16xf32>,
      %shift_right_logical3A_717 = arith.constant 24 : i32
      %shift_right_logical3A_718 = vector.broadcast %shift_right_logical3A_717 : i32 to vector<16xi32>
      %shift_right_logical3A_719 = arith.shrui %bitcast3A_673, %shift_right_logical3A_718 : vector<16xi32>
      %and3A_720 = arith.constant 255 : i32
      %and3A_721 = vector.broadcast %and3A_720 : i32 to vector<16xi32>
      %and3A_722 = arith.andi %shift_right_logical3A_719, %and3A_721 : vector<16xi32>
      %gather3A_723 = tpu.vector_load_idx %arg11[%and3A_722] : memref<256xf32, #tpu.memory_space<vmem>>[vector<16xi32>], vector<16xf32>,
      %mul3A_724 = arith.mulf %gather3A_723, %broadcast_in_dim3A_676 : vector<16xf32>
      %mul3A_725 = arith.constant 4 : i32
      %mul3A_726 = vector.broadcast %mul3A_725 : i32 to vector<16xi32>
      %mul3A_727 = arith.muli %mul3A_726, %iota3A : vector<16xi32>
      %add3A_728 = arith.constant 3 : i32
      %add3A_729 = vector.broadcast %add3A_728 : i32 to vector<16xi32>
      %add3A_730 = arith.addi %mul3A_727, %add3A_729 : vector<16xi32>
      tpu.vector_store_idx %arg12[%broadcast_in_dim3A_677, %add3A_730], %mul3A_724 : memref<512x64xf32, #tpu.memory_space<vmem>>[vector<16xi32>, vector<16xi32>], vector<16xf32>,
      %add3A_731 = arith.constant 10 : i32
      %add3A_732 = arith.addi %mul3A_101, %add3A_731 : i32
      %get3A_733 = arith.index_cast %add3A_732 : i32 to index
      %get3A_734 = arith.constant 0 : index
      %get3A_735 = tpu.vector_load %arg9[%get3A_733, %get3A_734] {strides = array<i32>} : memref<512x64xi8, #tpu.memory_space<vmem>>, vector<64xi8>,
      %bitcast3A_736 = vector.bitcast %get3A_735 : vector<64xi8> to vector<16xi32>
      %slice3A_737 = vector.extract_strided_slice %gather3A_106 {offsets = [10], sizes = [1], strides = [1]} : vector<16xf32> to vector<1xf32>
      %squeeze3A_738 = vector.extract %slice3A_737[0] : f32 from vector<1xf32>
      %broadcast_in_dim3A_739 = vector.broadcast %squeeze3A_738 : f32 to vector<16xf32>
      %broadcast_in_dim3A_740 = vector.broadcast %add3A_732 : i32 to vector<16xi32>
      %and3A_741 = arith.constant 255 : i32
      %and3A_742 = vector.broadcast %and3A_741 : i32 to vector<16xi32>
      %and3A_743 = arith.andi %bitcast3A_736, %and3A_742 : vector<16xi32>
      %gather3A_744 = tpu.vector_load_idx %arg11[%and3A_743] : memref<256xf32, #tpu.memory_space<vmem>>[vector<16xi32>], vector<16xf32>,
      %mul3A_745 = arith.mulf %gather3A_744, %broadcast_in_dim3A_739 : vector<16xf32>
      %mul3A_746 = arith.constant 4 : i32
      %mul3A_747 = vector.broadcast %mul3A_746 : i32 to vector<16xi32>
      %mul3A_748 = arith.muli %mul3A_747, %iota3A : vector<16xi32>
      %add3A_749 = arith.constant 0 : i32
      %add3A_750 = vector.broadcast %add3A_749 : i32 to vector<16xi32>
      %add3A_751 = arith.addi %mul3A_748, %add3A_750 : vector<16xi32>
      tpu.vector_store_idx %arg12[%broadcast_in_dim3A_740, %add3A_751], %mul3A_745 : memref<512x64xf32, #tpu.memory_space<vmem>>[vector<16xi32>, vector<16xi32>], vector<16xf32>,
      %shift_right_logical3A_752 = arith.constant 8 : i32
      %shift_right_logical3A_753 = vector.broadcast %shift_right_logical3A_752 : i32 to vector<16xi32>
      %shift_right_logical3A_754 = arith.shrui %bitcast3A_736, %shift_right_logical3A_753 : vector<16xi32>
      %and3A_755 = arith.constant 255 : i32
      %and3A_756 = vector.broadcast %and3A_755 : i32 to vector<16xi32>
      %and3A_757 = arith.andi %shift_right_logical3A_754, %and3A_756 : vector<16xi32>
      %gather3A_758 = tpu.vector_load_idx %arg11[%and3A_757] : memref<256xf32, #tpu.memory_space<vmem>>[vector<16xi32>], vector<16xf32>,
      %mul3A_759 = arith.mulf %gather3A_758, %broadcast_in_dim3A_739 : vector<16xf32>
      %mul3A_760 = arith.constant 4 : i32
      %mul3A_761 = vector.broadcast %mul3A_760 : i32 to vector<16xi32>
      %mul3A_762 = arith.muli %mul3A_761, %iota3A : vector<16xi32>
      %add3A_763 = arith.constant 1 : i32
      %add3A_764 = vector.broadcast %add3A_763 : i32 to vector<16xi32>
      %add3A_765 = arith.addi %mul3A_762, %add3A_764 : vector<16xi32>
      tpu.vector_store_idx %arg12[%broadcast_in_dim3A_740, %add3A_765], %mul3A_759 : memref<512x64xf32, #tpu.memory_space<vmem>>[vector<16xi32>, vector<16xi32>], vector<16xf32>,
      %shift_right_logical3A_766 = arith.constant 16 : i32
      %shift_right_logical3A_767 = vector.broadcast %shift_right_logical3A_766 : i32 to vector<16xi32>
      %shift_right_logical3A_768 = arith.shrui %bitcast3A_736, %shift_right_logical3A_767 : vector<16xi32>
      %and3A_769 = arith.constant 255 : i32
      %and3A_770 = vector.broadcast %and3A_769 : i32 to vector<16xi32>
      %and3A_771 = arith.andi %shift_right_logical3A_768, %and3A_770 : vector<16xi32>
      %gather3A_772 = tpu.vector_load_idx %arg11[%and3A_771] : memref<256xf32, #tpu.memory_space<vmem>>[vector<16xi32>], vector<16xf32>,
      %mul3A_773 = arith.mulf %gather3A_772, %broadcast_in_dim3A_739 : vector<16xf32>
      %mul3A_774 = arith.constant 4 : i32
      %mul3A_775 = vector.broadcast %mul3A_774 : i32 to vector<16xi32>
      %mul3A_776 = arith.muli %mul3A_775, %iota3A : vector<16xi32>
      %add3A_777 = arith.constant 2 : i32
      %add3A_778 = vector.broadcast %add3A_777 : i32 to vector<16xi32>
      %add3A_779 = arith.addi %mul3A_776, %add3A_778 : vector<16xi32>
      tpu.vector_store_idx %arg12[%broadcast_in_dim3A_740, %add3A_779], %mul3A_773 : memref<512x64xf32, #tpu.memory_space<vmem>>[vector<16xi32>, vector<16xi32>], vector<16xf32>,
      %shift_right_logical3A_780 = arith.constant 24 : i32
      %shift_right_logical3A_781 = vector.broadcast %shift_right_logical3A_780 : i32 to vector<16xi32>
      %shift_right_logical3A_782 = arith.shrui %bitcast3A_736, %shift_right_logical3A_781 : vector<16xi32>
      %and3A_783 = arith.constant 255 : i32
      %and3A_784 = vector.broadcast %and3A_783 : i32 to vector<16xi32>
      %and3A_785 = arith.andi %shift_right_logical3A_782, %and3A_784 : vector<16xi32>
      %gather3A_786 = tpu.vector_load_idx %arg11[%and3A_785] : memref<256xf32, #tpu.memory_space<vmem>>[vector<16xi32>], vector<16xf32>,
      %mul3A_787 = arith.mulf %gather3A_786, %broadcast_in_dim3A_739 : vector<16xf32>
      %mul3A_788 = arith.constant 4 : i32
      %mul3A_789 = vector.broadcast %mul3A_788 : i32 to vector<16xi32>
      %mul3A_790 = arith.muli %mul3A_789, %iota3A : vector<16xi32>
      %add3A_791 = arith.constant 3 : i32
      %add3A_792 = vector.broadcast %add3A_791 : i32 to vector<16xi32>
      %add3A_793 = arith.addi %mul3A_790, %add3A_792 : vector<16xi32>
      tpu.vector_store_idx %arg12[%broadcast_in_dim3A_740, %add3A_793], %mul3A_787 : memref<512x64xf32, #tpu.memory_space<vmem>>[vector<16xi32>, vector<16xi32>], vector<16xf32>,
      %add3A_794 = arith.constant 11 : i32
      %add3A_795 = arith.addi %mul3A_101, %add3A_794 : i32
      %get3A_796 = arith.index_cast %add3A_795 : i32 to index
      %get3A_797 = arith.constant 0 : index
      %get3A_798 = tpu.vector_load %arg9[%get3A_796, %get3A_797] {strides = array<i32>} : memref<512x64xi8, #tpu.memory_space<vmem>>, vector<64xi8>,
      %bitcast3A_799 = vector.bitcast %get3A_798 : vector<64xi8> to vector<16xi32>
      %slice3A_800 = vector.extract_strided_slice %gather3A_106 {offsets = [11], sizes = [1], strides = [1]} : vector<16xf32> to vector<1xf32>
      %squeeze3A_801 = vector.extract %slice3A_800[0] : f32 from vector<1xf32>
      %broadcast_in_dim3A_802 = vector.broadcast %squeeze3A_801 : f32 to vector<16xf32>
      %broadcast_in_dim3A_803 = vector.broadcast %add3A_795 : i32 to vector<16xi32>
      %and3A_804 = arith.constant 255 : i32
      %and3A_805 = vector.broadcast %and3A_804 : i32 to vector<16xi32>
      %and3A_806 = arith.andi %bitcast3A_799, %and3A_805 : vector<16xi32>
      %gather3A_807 = tpu.vector_load_idx %arg11[%and3A_806] : memref<256xf32, #tpu.memory_space<vmem>>[vector<16xi32>], vector<16xf32>,
      %mul3A_808 = arith.mulf %gather3A_807, %broadcast_in_dim3A_802 : vector<16xf32>
      %mul3A_809 = arith.constant 4 : i32
      %mul3A_810 = vector.broadcast %mul3A_809 : i32 to vector<16xi32>
      %mul3A_811 = arith.muli %mul3A_810, %iota3A : vector<16xi32>
      %add3A_812 = arith.constant 0 : i32
      %add3A_813 = vector.broadcast %add3A_812 : i32 to vector<16xi32>
      %add3A_814 = arith.addi %mul3A_811, %add3A_813 : vector<16xi32>
      tpu.vector_store_idx %arg12[%broadcast_in_dim3A_803, %add3A_814], %mul3A_808 : memref<512x64xf32, #tpu.memory_space<vmem>>[vector<16xi32>, vector<16xi32>], vector<16xf32>,
      %shift_right_logical3A_815 = arith.constant 8 : i32
      %shift_right_logical3A_816 = vector.broadcast %shift_right_logical3A_815 : i32 to vector<16xi32>
      %shift_right_logical3A_817 = arith.shrui %bitcast3A_799, %shift_right_logical3A_816 : vector<16xi32>
      %and3A_818 = arith.constant 255 : i32
      %and3A_819 = vector.broadcast %and3A_818 : i32 to vector<16xi32>
      %and3A_820 = arith.andi %shift_right_logical3A_817, %and3A_819 : vector<16xi32>
      %gather3A_821 = tpu.vector_load_idx %arg11[%and3A_820] : memref<256xf32, #tpu.memory_space<vmem>>[vector<16xi32>], vector<16xf32>,
      %mul3A_822 = arith.mulf %gather3A_821, %broadcast_in_dim3A_802 : vector<16xf32>
      %mul3A_823 = arith.constant 4 : i32
      %mul3A_824 = vector.broadcast %mul3A_823 : i32 to vector<16xi32>
      %mul3A_825 = arith.muli %mul3A_824, %iota3A : vector<16xi32>
      %add3A_826 = arith.constant 1 : i32
      %add3A_827 = vector.broadcast %add3A_826 : i32 to vector<16xi32>
      %add3A_828 = arith.addi %mul3A_825, %add3A_827 : vector<16xi32>
      tpu.vector_store_idx %arg12[%broadcast_in_dim3A_803, %add3A_828], %mul3A_822 : memref<512x64xf32, #tpu.memory_space<vmem>>[vector<16xi32>, vector<16xi32>], vector<16xf32>,
      %shift_right_logical3A_829 = arith.constant 16 : i32
      %shift_right_logical3A_830 = vector.broadcast %shift_right_logical3A_829 : i32 to vector<16xi32>
      %shift_right_logical3A_831 = arith.shrui %bitcast3A_799, %shift_right_logical3A_830 : vector<16xi32>
      %and3A_832 = arith.constant 255 : i32
      %and3A_833 = vector.broadcast %and3A_832 : i32 to vector<16xi32>
      %and3A_834 = arith.andi %shift_right_logical3A_831, %and3A_833 : vector<16xi32>
      %gather3A_835 = tpu.vector_load_idx %arg11[%and3A_834] : memref<256xf32, #tpu.memory_space<vmem>>[vector<16xi32>], vector<16xf32>,
      %mul3A_836 = arith.mulf %gather3A_835, %broadcast_in_dim3A_802 : vector<16xf32>
      %mul3A_837 = arith.constant 4 : i32
      %mul3A_838 = vector.broadcast %mul3A_837 : i32 to vector<16xi32>
      %mul3A_839 = arith.muli %mul3A_838, %iota3A : vector<16xi32>
      %add3A_840 = arith.constant 2 : i32
      %add3A_841 = vector.broadcast %add3A_840 : i32 to vector<16xi32>
      %add3A_842 = arith.addi %mul3A_839, %add3A_841 : vector<16xi32>
      tpu.vector_store_idx %arg12[%broadcast_in_dim3A_803, %add3A_842], %mul3A_836 : memref<512x64xf32, #tpu.memory_space<vmem>>[vector<16xi32>, vector<16xi32>], vector<16xf32>,
      %shift_right_logical3A_843 = arith.constant 24 : i32
      %shift_right_logical3A_844 = vector.broadcast %shift_right_logical3A_843 : i32 to vector<16xi32>
      %shift_right_logical3A_845 = arith.shrui %bitcast3A_799, %shift_right_logical3A_844 : vector<16xi32>
      %and3A_846 = arith.constant 255 : i32
      %and3A_847 = vector.broadcast %and3A_846 : i32 to vector<16xi32>
      %and3A_848 = arith.andi %shift_right_logical3A_845, %and3A_847 : vector<16xi32>
      %gather3A_849 = tpu.vector_load_idx %arg11[%and3A_848] : memref<256xf32, #tpu.memory_space<vmem>>[vector<16xi32>], vector<16xf32>,
      %mul3A_850 = arith.mulf %gather3A_849, %broadcast_in_dim3A_802 : vector<16xf32>
      %mul3A_851 = arith.constant 4 : i32
      %mul3A_852 = vector.broadcast %mul3A_851 : i32 to vector<16xi32>
      %mul3A_853 = arith.muli %mul3A_852, %iota3A : vector<16xi32>
      %add3A_854 = arith.constant 3 : i32
      %add3A_855 = vector.broadcast %add3A_854 : i32 to vector<16xi32>
      %add3A_856 = arith.addi %mul3A_853, %add3A_855 : vector<16xi32>
      tpu.vector_store_idx %arg12[%broadcast_in_dim3A_803, %add3A_856], %mul3A_850 : memref<512x64xf32, #tpu.memory_space<vmem>>[vector<16xi32>, vector<16xi32>], vector<16xf32>,
      %add3A_857 = arith.constant 12 : i32
      %add3A_858 = arith.addi %mul3A_101, %add3A_857 : i32
      %get3A_859 = arith.index_cast %add3A_858 : i32 to index
      %get3A_860 = arith.constant 0 : index
      %get3A_861 = tpu.vector_load %arg9[%get3A_859, %get3A_860] {strides = array<i32>} : memref<512x64xi8, #tpu.memory_space<vmem>>, vector<64xi8>,
      %bitcast3A_862 = vector.bitcast %get3A_861 : vector<64xi8> to vector<16xi32>
      %slice3A_863 = vector.extract_strided_slice %gather3A_106 {offsets = [12], sizes = [1], strides = [1]} : vector<16xf32> to vector<1xf32>
      %squeeze3A_864 = vector.extract %slice3A_863[0] : f32 from vector<1xf32>
      %broadcast_in_dim3A_865 = vector.broadcast %squeeze3A_864 : f32 to vector<16xf32>
      %broadcast_in_dim3A_866 = vector.broadcast %add3A_858 : i32 to vector<16xi32>
      %and3A_867 = arith.constant 255 : i32
      %and3A_868 = vector.broadcast %and3A_867 : i32 to vector<16xi32>
      %and3A_869 = arith.andi %bitcast3A_862, %and3A_868 : vector<16xi32>
      %gather3A_870 = tpu.vector_load_idx %arg11[%and3A_869] : memref<256xf32, #tpu.memory_space<vmem>>[vector<16xi32>], vector<16xf32>,
      %mul3A_871 = arith.mulf %gather3A_870, %broadcast_in_dim3A_865 : vector<16xf32>
      %mul3A_872 = arith.constant 4 : i32
      %mul3A_873 = vector.broadcast %mul3A_872 : i32 to vector<16xi32>
      %mul3A_874 = arith.muli %mul3A_873, %iota3A : vector<16xi32>
      %add3A_875 = arith.constant 0 : i32
      %add3A_876 = vector.broadcast %add3A_875 : i32 to vector<16xi32>
      %add3A_877 = arith.addi %mul3A_874, %add3A_876 : vector<16xi32>
      tpu.vector_store_idx %arg12[%broadcast_in_dim3A_866, %add3A_877], %mul3A_871 : memref<512x64xf32, #tpu.memory_space<vmem>>[vector<16xi32>, vector<16xi32>], vector<16xf32>,
      %shift_right_logical3A_878 = arith.constant 8 : i32
      %shift_right_logical3A_879 = vector.broadcast %shift_right_logical3A_878 : i32 to vector<16xi32>
      %shift_right_logical3A_880 = arith.shrui %bitcast3A_862, %shift_right_logical3A_879 : vector<16xi32>
      %and3A_881 = arith.constant 255 : i32
      %and3A_882 = vector.broadcast %and3A_881 : i32 to vector<16xi32>
      %and3A_883 = arith.andi %shift_right_logical3A_880, %and3A_882 : vector<16xi32>
      %gather3A_884 = tpu.vector_load_idx %arg11[%and3A_883] : memref<256xf32, #tpu.memory_space<vmem>>[vector<16xi32>], vector<16xf32>,
      %mul3A_885 = arith.mulf %gather3A_884, %broadcast_in_dim3A_865 : vector<16xf32>
      %mul3A_886 = arith.constant 4 : i32
      %mul3A_887 = vector.broadcast %mul3A_886 : i32 to vector<16xi32>
      %mul3A_888 = arith.muli %mul3A_887, %iota3A : vector<16xi32>
      %add3A_889 = arith.constant 1 : i32
      %add3A_890 = vector.broadcast %add3A_889 : i32 to vector<16xi32>
      %add3A_891 = arith.addi %mul3A_888, %add3A_890 : vector<16xi32>
      tpu.vector_store_idx %arg12[%broadcast_in_dim3A_866, %add3A_891], %mul3A_885 : memref<512x64xf32, #tpu.memory_space<vmem>>[vector<16xi32>, vector<16xi32>], vector<16xf32>,
      %shift_right_logical3A_892 = arith.constant 16 : i32
      %shift_right_logical3A_893 = vector.broadcast %shift_right_logical3A_892 : i32 to vector<16xi32>
      %shift_right_logical3A_894 = arith.shrui %bitcast3A_862, %shift_right_logical3A_893 : vector<16xi32>
      %and3A_895 = arith.constant 255 : i32
      %and3A_896 = vector.broadcast %and3A_895 : i32 to vector<16xi32>
      %and3A_897 = arith.andi %shift_right_logical3A_894, %and3A_896 : vector<16xi32>
      %gather3A_898 = tpu.vector_load_idx %arg11[%and3A_897] : memref<256xf32, #tpu.memory_space<vmem>>[vector<16xi32>], vector<16xf32>,
      %mul3A_899 = arith.mulf %gather3A_898, %broadcast_in_dim3A_865 : vector<16xf32>
      %mul3A_900 = arith.constant 4 : i32
      %mul3A_901 = vector.broadcast %mul3A_900 : i32 to vector<16xi32>
      %mul3A_902 = arith.muli %mul3A_901, %iota3A : vector<16xi32>
      %add3A_903 = arith.constant 2 : i32
      %add3A_904 = vector.broadcast %add3A_903 : i32 to vector<16xi32>
      %add3A_905 = arith.addi %mul3A_902, %add3A_904 : vector<16xi32>
      tpu.vector_store_idx %arg12[%broadcast_in_dim3A_866, %add3A_905], %mul3A_899 : memref<512x64xf32, #tpu.memory_space<vmem>>[vector<16xi32>, vector<16xi32>], vector<16xf32>,
      %shift_right_logical3A_906 = arith.constant 24 : i32
      %shift_right_logical3A_907 = vector.broadcast %shift_right_logical3A_906 : i32 to vector<16xi32>
      %shift_right_logical3A_908 = arith.shrui %bitcast3A_862, %shift_right_logical3A_907 : vector<16xi32>
      %and3A_909 = arith.constant 255 : i32
      %and3A_910 = vector.broadcast %and3A_909 : i32 to vector<16xi32>
      %and3A_911 = arith.andi %shift_right_logical3A_908, %and3A_910 : vector<16xi32>
      %gather3A_912 = tpu.vector_load_idx %arg11[%and3A_911] : memref<256xf32, #tpu.memory_space<vmem>>[vector<16xi32>], vector<16xf32>,
      %mul3A_913 = arith.mulf %gather3A_912, %broadcast_in_dim3A_865 : vector<16xf32>
      %mul3A_914 = arith.constant 4 : i32
      %mul3A_915 = vector.broadcast %mul3A_914 : i32 to vector<16xi32>
      %mul3A_916 = arith.muli %mul3A_915, %iota3A : vector<16xi32>
      %add3A_917 = arith.constant 3 : i32
      %add3A_918 = vector.broadcast %add3A_917 : i32 to vector<16xi32>
      %add3A_919 = arith.addi %mul3A_916, %add3A_918 : vector<16xi32>
      tpu.vector_store_idx %arg12[%broadcast_in_dim3A_866, %add3A_919], %mul3A_913 : memref<512x64xf32, #tpu.memory_space<vmem>>[vector<16xi32>, vector<16xi32>], vector<16xf32>,
      %add3A_920 = arith.constant 13 : i32
      %add3A_921 = arith.addi %mul3A_101, %add3A_920 : i32
      %get3A_922 = arith.index_cast %add3A_921 : i32 to index
      %get3A_923 = arith.constant 0 : index
      %get3A_924 = tpu.vector_load %arg9[%get3A_922, %get3A_923] {strides = array<i32>} : memref<512x64xi8, #tpu.memory_space<vmem>>, vector<64xi8>,
      %bitcast3A_925 = vector.bitcast %get3A_924 : vector<64xi8> to vector<16xi32>
      %slice3A_926 = vector.extract_strided_slice %gather3A_106 {offsets = [13], sizes = [1], strides = [1]} : vector<16xf32> to vector<1xf32>
      %squeeze3A_927 = vector.extract %slice3A_926[0] : f32 from vector<1xf32>
      %broadcast_in_dim3A_928 = vector.broadcast %squeeze3A_927 : f32 to vector<16xf32>
      %broadcast_in_dim3A_929 = vector.broadcast %add3A_921 : i32 to vector<16xi32>
      %and3A_930 = arith.constant 255 : i32
      %and3A_931 = vector.broadcast %and3A_930 : i32 to vector<16xi32>
      %and3A_932 = arith.andi %bitcast3A_925, %and3A_931 : vector<16xi32>
      %gather3A_933 = tpu.vector_load_idx %arg11[%and3A_932] : memref<256xf32, #tpu.memory_space<vmem>>[vector<16xi32>], vector<16xf32>,
      %mul3A_934 = arith.mulf %gather3A_933, %broadcast_in_dim3A_928 : vector<16xf32>
      %mul3A_935 = arith.constant 4 : i32
      %mul3A_936 = vector.broadcast %mul3A_935 : i32 to vector<16xi32>
      %mul3A_937 = arith.muli %mul3A_936, %iota3A : vector<16xi32>
      %add3A_938 = arith.constant 0 : i32
      %add3A_939 = vector.broadcast %add3A_938 : i32 to vector<16xi32>
      %add3A_940 = arith.addi %mul3A_937, %add3A_939 : vector<16xi32>
      tpu.vector_store_idx %arg12[%broadcast_in_dim3A_929, %add3A_940], %mul3A_934 : memref<512x64xf32, #tpu.memory_space<vmem>>[vector<16xi32>, vector<16xi32>], vector<16xf32>,
      %shift_right_logical3A_941 = arith.constant 8 : i32
      %shift_right_logical3A_942 = vector.broadcast %shift_right_logical3A_941 : i32 to vector<16xi32>
      %shift_right_logical3A_943 = arith.shrui %bitcast3A_925, %shift_right_logical3A_942 : vector<16xi32>
      %and3A_944 = arith.constant 255 : i32
      %and3A_945 = vector.broadcast %and3A_944 : i32 to vector<16xi32>
      %and3A_946 = arith.andi %shift_right_logical3A_943, %and3A_945 : vector<16xi32>
      %gather3A_947 = tpu.vector_load_idx %arg11[%and3A_946] : memref<256xf32, #tpu.memory_space<vmem>>[vector<16xi32>], vector<16xf32>,
      %mul3A_948 = arith.mulf %gather3A_947, %broadcast_in_dim3A_928 : vector<16xf32>
      %mul3A_949 = arith.constant 4 : i32
      %mul3A_950 = vector.broadcast %mul3A_949 : i32 to vector<16xi32>
      %mul3A_951 = arith.muli %mul3A_950, %iota3A : vector<16xi32>
      %add3A_952 = arith.constant 1 : i32
      %add3A_953 = vector.broadcast %add3A_952 : i32 to vector<16xi32>
      %add3A_954 = arith.addi %mul3A_951, %add3A_953 : vector<16xi32>
      tpu.vector_store_idx %arg12[%broadcast_in_dim3A_929, %add3A_954], %mul3A_948 : memref<512x64xf32, #tpu.memory_space<vmem>>[vector<16xi32>, vector<16xi32>], vector<16xf32>,
      %shift_right_logical3A_955 = arith.constant 16 : i32
      %shift_right_logical3A_956 = vector.broadcast %shift_right_logical3A_955 : i32 to vector<16xi32>
      %shift_right_logical3A_957 = arith.shrui %bitcast3A_925, %shift_right_logical3A_956 : vector<16xi32>
      %and3A_958 = arith.constant 255 : i32
      %and3A_959 = vector.broadcast %and3A_958 : i32 to vector<16xi32>
      %and3A_960 = arith.andi %shift_right_logical3A_957, %and3A_959 : vector<16xi32>
      %gather3A_961 = tpu.vector_load_idx %arg11[%and3A_960] : memref<256xf32, #tpu.memory_space<vmem>>[vector<16xi32>], vector<16xf32>,
      %mul3A_962 = arith.mulf %gather3A_961, %broadcast_in_dim3A_928 : vector<16xf32>
      %mul3A_963 = arith.constant 4 : i32
      %mul3A_964 = vector.broadcast %mul3A_963 : i32 to vector<16xi32>
      %mul3A_965 = arith.muli %mul3A_964, %iota3A : vector<16xi32>
      %add3A_966 = arith.constant 2 : i32
      %add3A_967 = vector.broadcast %add3A_966 : i32 to vector<16xi32>
      %add3A_968 = arith.addi %mul3A_965, %add3A_967 : vector<16xi32>
      tpu.vector_store_idx %arg12[%broadcast_in_dim3A_929, %add3A_968], %mul3A_962 : memref<512x64xf32, #tpu.memory_space<vmem>>[vector<16xi32>, vector<16xi32>], vector<16xf32>,
      %shift_right_logical3A_969 = arith.constant 24 : i32
      %shift_right_logical3A_970 = vector.broadcast %shift_right_logical3A_969 : i32 to vector<16xi32>
      %shift_right_logical3A_971 = arith.shrui %bitcast3A_925, %shift_right_logical3A_970 : vector<16xi32>
      %and3A_972 = arith.constant 255 : i32
      %and3A_973 = vector.broadcast %and3A_972 : i32 to vector<16xi32>
      %and3A_974 = arith.andi %shift_right_logical3A_971, %and3A_973 : vector<16xi32>
      %gather3A_975 = tpu.vector_load_idx %arg11[%and3A_974] : memref<256xf32, #tpu.memory_space<vmem>>[vector<16xi32>], vector<16xf32>,
      %mul3A_976 = arith.mulf %gather3A_975, %broadcast_in_dim3A_928 : vector<16xf32>
      %mul3A_977 = arith.constant 4 : i32
      %mul3A_978 = vector.broadcast %mul3A_977 : i32 to vector<16xi32>
      %mul3A_979 = arith.muli %mul3A_978, %iota3A : vector<16xi32>
      %add3A_980 = arith.constant 3 : i32
      %add3A_981 = vector.broadcast %add3A_980 : i32 to vector<16xi32>
      %add3A_982 = arith.addi %mul3A_979, %add3A_981 : vector<16xi32>
      tpu.vector_store_idx %arg12[%broadcast_in_dim3A_929, %add3A_982], %mul3A_976 : memref<512x64xf32, #tpu.memory_space<vmem>>[vector<16xi32>, vector<16xi32>], vector<16xf32>,
      %add3A_983 = arith.constant 14 : i32
      %add3A_984 = arith.addi %mul3A_101, %add3A_983 : i32
      %get3A_985 = arith.index_cast %add3A_984 : i32 to index
      %get3A_986 = arith.constant 0 : index
      %get3A_987 = tpu.vector_load %arg9[%get3A_985, %get3A_986] {strides = array<i32>} : memref<512x64xi8, #tpu.memory_space<vmem>>, vector<64xi8>,
      %bitcast3A_988 = vector.bitcast %get3A_987 : vector<64xi8> to vector<16xi32>
      %slice3A_989 = vector.extract_strided_slice %gather3A_106 {offsets = [14], sizes = [1], strides = [1]} : vector<16xf32> to vector<1xf32>
      %squeeze3A_990 = vector.extract %slice3A_989[0] : f32 from vector<1xf32>
      %broadcast_in_dim3A_991 = vector.broadcast %squeeze3A_990 : f32 to vector<16xf32>
      %broadcast_in_dim3A_992 = vector.broadcast %add3A_984 : i32 to vector<16xi32>
      %and3A_993 = arith.constant 255 : i32
      %and3A_994 = vector.broadcast %and3A_993 : i32 to vector<16xi32>
      %and3A_995 = arith.andi %bitcast3A_988, %and3A_994 : vector<16xi32>
      %gather3A_996 = tpu.vector_load_idx %arg11[%and3A_995] : memref<256xf32, #tpu.memory_space<vmem>>[vector<16xi32>], vector<16xf32>,
      %mul3A_997 = arith.mulf %gather3A_996, %broadcast_in_dim3A_991 : vector<16xf32>
      %mul3A_998 = arith.constant 4 : i32
      %mul3A_999 = vector.broadcast %mul3A_998 : i32 to vector<16xi32>
      %mul3A_1000 = arith.muli %mul3A_999, %iota3A : vector<16xi32>
      %add3A_1001 = arith.constant 0 : i32
      %add3A_1002 = vector.broadcast %add3A_1001 : i32 to vector<16xi32>
      %add3A_1003 = arith.addi %mul3A_1000, %add3A_1002 : vector<16xi32>
      tpu.vector_store_idx %arg12[%broadcast_in_dim3A_992, %add3A_1003], %mul3A_997 : memref<512x64xf32, #tpu.memory_space<vmem>>[vector<16xi32>, vector<16xi32>], vector<16xf32>,
      %shift_right_logical3A_1004 = arith.constant 8 : i32
      %shift_right_logical3A_1005 = vector.broadcast %shift_right_logical3A_1004 : i32 to vector<16xi32>
      %shift_right_logical3A_1006 = arith.shrui %bitcast3A_988, %shift_right_logical3A_1005 : vector<16xi32>
      %and3A_1007 = arith.constant 255 : i32
      %and3A_1008 = vector.broadcast %and3A_1007 : i32 to vector<16xi32>
      %and3A_1009 = arith.andi %shift_right_logical3A_1006, %and3A_1008 : vector<16xi32>
      %gather3A_1010 = tpu.vector_load_idx %arg11[%and3A_1009] : memref<256xf32, #tpu.memory_space<vmem>>[vector<16xi32>], vector<16xf32>,
      %mul3A_1011 = arith.mulf %gather3A_1010, %broadcast_in_dim3A_991 : vector<16xf32>
      %mul3A_1012 = arith.constant 4 : i32
      %mul3A_1013 = vector.broadcast %mul3A_1012 : i32 to vector<16xi32>
      %mul3A_1014 = arith.muli %mul3A_1013, %iota3A : vector<16xi32>
      %add3A_1015 = arith.constant 1 : i32
      %add3A_1016 = vector.broadcast %add3A_1015 : i32 to vector<16xi32>
      %add3A_1017 = arith.addi %mul3A_1014, %add3A_1016 : vector<16xi32>
      tpu.vector_store_idx %arg12[%broadcast_in_dim3A_992, %add3A_1017], %mul3A_1011 : memref<512x64xf32, #tpu.memory_space<vmem>>[vector<16xi32>, vector<16xi32>], vector<16xf32>,
      %shift_right_logical3A_1018 = arith.constant 16 : i32
      %shift_right_logical3A_1019 = vector.broadcast %shift_right_logical3A_1018 : i32 to vector<16xi32>
      %shift_right_logical3A_1020 = arith.shrui %bitcast3A_988, %shift_right_logical3A_1019 : vector<16xi32>
      %and3A_1021 = arith.constant 255 : i32
      %and3A_1022 = vector.broadcast %and3A_1021 : i32 to vector<16xi32>
      %and3A_1023 = arith.andi %shift_right_logical3A_1020, %and3A_1022 : vector<16xi32>
      %gather3A_1024 = tpu.vector_load_idx %arg11[%and3A_1023] : memref<256xf32, #tpu.memory_space<vmem>>[vector<16xi32>], vector<16xf32>,
      %mul3A_1025 = arith.mulf %gather3A_1024, %broadcast_in_dim3A_991 : vector<16xf32>
      %mul3A_1026 = arith.constant 4 : i32
      %mul3A_1027 = vector.broadcast %mul3A_1026 : i32 to vector<16xi32>
      %mul3A_1028 = arith.muli %mul3A_1027, %iota3A : vector<16xi32>
      %add3A_1029 = arith.constant 2 : i32
      %add3A_1030 = vector.broadcast %add3A_1029 : i32 to vector<16xi32>
      %add3A_1031 = arith.addi %mul3A_1028, %add3A_1030 : vector<16xi32>
      tpu.vector_store_idx %arg12[%broadcast_in_dim3A_992, %add3A_1031], %mul3A_1025 : memref<512x64xf32, #tpu.memory_space<vmem>>[vector<16xi32>, vector<16xi32>], vector<16xf32>,
      %shift_right_logical3A_1032 = arith.constant 24 : i32
      %shift_right_logical3A_1033 = vector.broadcast %shift_right_logical3A_1032 : i32 to vector<16xi32>
      %shift_right_logical3A_1034 = arith.shrui %bitcast3A_988, %shift_right_logical3A_1033 : vector<16xi32>
      %and3A_1035 = arith.constant 255 : i32
      %and3A_1036 = vector.broadcast %and3A_1035 : i32 to vector<16xi32>
      %and3A_1037 = arith.andi %shift_right_logical3A_1034, %and3A_1036 : vector<16xi32>
      %gather3A_1038 = tpu.vector_load_idx %arg11[%and3A_1037] : memref<256xf32, #tpu.memory_space<vmem>>[vector<16xi32>], vector<16xf32>,
      %mul3A_1039 = arith.mulf %gather3A_1038, %broadcast_in_dim3A_991 : vector<16xf32>
      %mul3A_1040 = arith.constant 4 : i32
      %mul3A_1041 = vector.broadcast %mul3A_1040 : i32 to vector<16xi32>
      %mul3A_1042 = arith.muli %mul3A_1041, %iota3A : vector<16xi32>
      %add3A_1043 = arith.constant 3 : i32
      %add3A_1044 = vector.broadcast %add3A_1043 : i32 to vector<16xi32>
      %add3A_1045 = arith.addi %mul3A_1042, %add3A_1044 : vector<16xi32>
      tpu.vector_store_idx %arg12[%broadcast_in_dim3A_992, %add3A_1045], %mul3A_1039 : memref<512x64xf32, #tpu.memory_space<vmem>>[vector<16xi32>, vector<16xi32>], vector<16xf32>,
      %add3A_1046 = arith.constant 15 : i32
      %add3A_1047 = arith.addi %mul3A_101, %add3A_1046 : i32
      %get3A_1048 = arith.index_cast %add3A_1047 : i32 to index
      %get3A_1049 = arith.constant 0 : index
      %get3A_1050 = tpu.vector_load %arg9[%get3A_1048, %get3A_1049] {strides = array<i32>} : memref<512x64xi8, #tpu.memory_space<vmem>>, vector<64xi8>,
      %bitcast3A_1051 = vector.bitcast %get3A_1050 : vector<64xi8> to vector<16xi32>
      %slice3A_1052 = vector.extract_strided_slice %gather3A_106 {offsets = [15], sizes = [1], strides = [1]} : vector<16xf32> to vector<1xf32>
      %squeeze3A_1053 = vector.extract %slice3A_1052[0] : f32 from vector<1xf32>
      %broadcast_in_dim3A_1054 = vector.broadcast %squeeze3A_1053 : f32 to vector<16xf32>
      %broadcast_in_dim3A_1055 = vector.broadcast %add3A_1047 : i32 to vector<16xi32>
      %and3A_1056 = arith.constant 255 : i32
      %and3A_1057 = vector.broadcast %and3A_1056 : i32 to vector<16xi32>
      %and3A_1058 = arith.andi %bitcast3A_1051, %and3A_1057 : vector<16xi32>
      %gather3A_1059 = tpu.vector_load_idx %arg11[%and3A_1058] : memref<256xf32, #tpu.memory_space<vmem>>[vector<16xi32>], vector<16xf32>,
      %mul3A_1060 = arith.mulf %gather3A_1059, %broadcast_in_dim3A_1054 : vector<16xf32>
      %mul3A_1061 = arith.constant 4 : i32
      %mul3A_1062 = vector.broadcast %mul3A_1061 : i32 to vector<16xi32>
      %mul3A_1063 = arith.muli %mul3A_1062, %iota3A : vector<16xi32>
      %add3A_1064 = arith.constant 0 : i32
      %add3A_1065 = vector.broadcast %add3A_1064 : i32 to vector<16xi32>
      %add3A_1066 = arith.addi %mul3A_1063, %add3A_1065 : vector<16xi32>
      tpu.vector_store_idx %arg12[%broadcast_in_dim3A_1055, %add3A_1066], %mul3A_1060 : memref<512x64xf32, #tpu.memory_space<vmem>>[vector<16xi32>, vector<16xi32>], vector<16xf32>,
      %shift_right_logical3A_1067 = arith.constant 8 : i32
      %shift_right_logical3A_1068 = vector.broadcast %shift_right_logical3A_1067 : i32 to vector<16xi32>
      %shift_right_logical3A_1069 = arith.shrui %bitcast3A_1051, %shift_right_logical3A_1068 : vector<16xi32>
      %and3A_1070 = arith.constant 255 : i32
      %and3A_1071 = vector.broadcast %and3A_1070 : i32 to vector<16xi32>
      %and3A_1072 = arith.andi %shift_right_logical3A_1069, %and3A_1071 : vector<16xi32>
      %gather3A_1073 = tpu.vector_load_idx %arg11[%and3A_1072] : memref<256xf32, #tpu.memory_space<vmem>>[vector<16xi32>], vector<16xf32>,
      %mul3A_1074 = arith.mulf %gather3A_1073, %broadcast_in_dim3A_1054 : vector<16xf32>
      %mul3A_1075 = arith.constant 4 : i32
      %mul3A_1076 = vector.broadcast %mul3A_1075 : i32 to vector<16xi32>
      %mul3A_1077 = arith.muli %mul3A_1076, %iota3A : vector<16xi32>
      %add3A_1078 = arith.constant 1 : i32
      %add3A_1079 = vector.broadcast %add3A_1078 : i32 to vector<16xi32>
      %add3A_1080 = arith.addi %mul3A_1077, %add3A_1079 : vector<16xi32>
      tpu.vector_store_idx %arg12[%broadcast_in_dim3A_1055, %add3A_1080], %mul3A_1074 : memref<512x64xf32, #tpu.memory_space<vmem>>[vector<16xi32>, vector<16xi32>], vector<16xf32>,
      %shift_right_logical3A_1081 = arith.constant 16 : i32
      %shift_right_logical3A_1082 = vector.broadcast %shift_right_logical3A_1081 : i32 to vector<16xi32>
      %shift_right_logical3A_1083 = arith.shrui %bitcast3A_1051, %shift_right_logical3A_1082 : vector<16xi32>
      %and3A_1084 = arith.constant 255 : i32
      %and3A_1085 = vector.broadcast %and3A_1084 : i32 to vector<16xi32>
      %and3A_1086 = arith.andi %shift_right_logical3A_1083, %and3A_1085 : vector<16xi32>
      %gather3A_1087 = tpu.vector_load_idx %arg11[%and3A_1086] : memref<256xf32, #tpu.memory_space<vmem>>[vector<16xi32>], vector<16xf32>,
      %mul3A_1088 = arith.mulf %gather3A_1087, %broadcast_in_dim3A_1054 : vector<16xf32>
      %mul3A_1089 = arith.constant 4 : i32
      %mul3A_1090 = vector.broadcast %mul3A_1089 : i32 to vector<16xi32>
      %mul3A_1091 = arith.muli %mul3A_1090, %iota3A : vector<16xi32>
      %add3A_1092 = arith.constant 2 : i32
      %add3A_1093 = vector.broadcast %add3A_1092 : i32 to vector<16xi32>
      %add3A_1094 = arith.addi %mul3A_1091, %add3A_1093 : vector<16xi32>
      tpu.vector_store_idx %arg12[%broadcast_in_dim3A_1055, %add3A_1094], %mul3A_1088 : memref<512x64xf32, #tpu.memory_space<vmem>>[vector<16xi32>, vector<16xi32>], vector<16xf32>,
      %shift_right_logical3A_1095 = arith.constant 24 : i32
      %shift_right_logical3A_1096 = vector.broadcast %shift_right_logical3A_1095 : i32 to vector<16xi32>
      %shift_right_logical3A_1097 = arith.shrui %bitcast3A_1051, %shift_right_logical3A_1096 : vector<16xi32>
      %and3A_1098 = arith.constant 255 : i32
      %and3A_1099 = vector.broadcast %and3A_1098 : i32 to vector<16xi32>
      %and3A_1100 = arith.andi %shift_right_logical3A_1097, %and3A_1099 : vector<16xi32>
      %gather3A_1101 = tpu.vector_load_idx %arg11[%and3A_1100] : memref<256xf32, #tpu.memory_space<vmem>>[vector<16xi32>], vector<16xf32>,
      %mul3A_1102 = arith.mulf %gather3A_1101, %broadcast_in_dim3A_1054 : vector<16xf32>
      %mul3A_1103 = arith.constant 4 : i32
      %mul3A_1104 = vector.broadcast %mul3A_1103 : i32 to vector<16xi32>
      %mul3A_1105 = arith.muli %mul3A_1104, %iota3A : vector<16xi32>
      %add3A_1106 = arith.constant 3 : i32
      %add3A_1107 = vector.broadcast %add3A_1106 : i32 to vector<16xi32>
      %add3A_1108 = arith.addi %mul3A_1105, %add3A_1107 : vector<16xi32>
      tpu.vector_store_idx %arg12[%broadcast_in_dim3A_1055, %add3A_1108], %mul3A_1102 : memref<512x64xf32, #tpu.memory_space<vmem>>[vector<16xi32>, vector<16xi32>], vector<16xf32>,
      %scan3A_1109 = arith.constant 0 : i32
      scf.yield %scan3A_1109 : i32
    }
    %scan3A_97 = arith.constant 32 : i32
    "tpu.region"() ({
      %run_scoped3A_98 = tpu.sem_alloc : memref<!tpu.dma_semaphore, #tpu.memory_space<semaphore_mem>>
      %dma_start3A_99 = arith.constant 0 : i32
      %dma_start3A_100 = tpu.memref_slice %arg6[%mul3A_2, %dma_start3A_99] : memref<16384x64xf32, #tpu.memory_space<hbm>> -> memref<512x64xf32, #tpu.memory_space<hbm>>
      %dma_start3A_101 = arith.constant 0 : i32
      %dma_start3A_102 = tpu.memref_slice %arg6[%mul3A_2, %dma_start3A_101] : memref<16384x64xf32, #tpu.memory_space<hbm>> -> memref<512x64xf32, #tpu.memory_space<hbm>>
      tpu.enqueue_dma source(%arg12 : memref<512x64xf32, #tpu.memory_space<vmem>>) target(%dma_start3A_102 : memref<512x64xf32, #tpu.memory_space<hbm>>) target_semaphore(%run_scoped3A_98 : memref<!tpu.dma_semaphore, #tpu.memory_space<semaphore_mem>>)
      %dma_wait3A_103 = arith.constant 0 : i32
      %dma_wait3A_104 = tpu.memref_slice %arg6[%mul3A_2, %dma_wait3A_103] : memref<16384x64xf32, #tpu.memory_space<hbm>> -> memref<512x64xf32, #tpu.memory_space<hbm>>
      %dma_wait3A_105 = arith.constant 0 : i32
      %dma_wait3A_106 = tpu.memref_slice %arg6[%mul3A_2, %dma_wait3A_105] : memref<16384x64xf32, #tpu.memory_space<hbm>> -> memref<512x64xf32, #tpu.memory_space<hbm>>
      tpu.wait_dma2 semaphore(%run_scoped3A_98 : memref<!tpu.dma_semaphore, #tpu.memory_space<semaphore_mem>>) src(%arg12 : memref<512x64xf32, #tpu.memory_space<vmem>>) dst(%dma_wait3A_106 : memref<512x64xf32, #tpu.memory_space<hbm>>)
      tpu.yield
    }) : () -> ()
    return
  }
}

</mosaic_0001>

<sc_bundles>
// kernel: kernel.3.cloned.1.call-start
scs
__scs_entry_jumppad:
0x0: {  	(pc) =	sbr.rel $0x88, $3  }
0x1: {  	(tag) =	ssettag $0x0;
	lr =	simm.s32 $0x1  }
0x2: {  	[smem:$0x3F9D] =	sst lr;
	_ =	strace $0xD0000000  }
0x3: {  	_ = 	snop  }
0x4: {  	_ = 	snop  }
0x5: {  	_ = 	snop  }
0x6: {  	_ = 	snop  }
0x7: {  	_ = 	snop  }
__scs_overlays_trampoline_lowered:
0x8: {  	[smem:$0x3FAC] =	sst s0  }
0x9: {  	[smem:$0x3FAD] =	sst s1  }
0xa: {  	[smem:$0x3FAE] =	sst s2  }
0xb: {  	[smem:$0x3FAF] =	sst s3  }
0xc: {  	[smem:$0x3FB0] =	sst s4  }
0xd: {  	[smem:$0x3FB1] =	sst s5  }
0xe: {  	[smem:$0x3FB2] =	sst s6  }
0xf: {  	[smem:$0x3FB3] =	sst s7  }
0x10: {  	[smem:$0x3FB4] =	sst s8  }
0x11: {  	[smem:$0x3FB5] =	sst s9;
	s0 =	simm.s32 @!p0 $0x0  }
0x12: {  	s1 =	sld [smem:$0x3F9B];
	s0 =	simm.s32 @p0 $0x1  }
0x13: {  	[smem:$0x3FB6] =	sst s0;
	s0 =	simm.s32 @!p1 $0x0  }
0x14: {  	s2 =	sld [smem:$0x3F9A];
	s0 =	simm.s32 @p1 $0x1  }
0x15: {  	[smem:$0x3FB7] =	sst s0;
	s0 =	simm.s32 @!p2 $0x0  }
0x16: {  	s3 =	sld [smem:$0x3FDB];
	s0 =	simm.s32 @p2 $0x1  }
0x17: {  	s4 =	simm.s32 $0x1BF5;
	[smem:$0x3FB9] =	sst s0  }
0x18: {  	s0 =	sld [smem:$0x3F9C];
	_ =	swait.ge [sflag:s4], $0x0  }
0x19: {  	s7 =	sld [smem:$0x3F9D]  }
0x1a: {  	s8 =	sadd.s32 $0xFFFFE003, lr  }
0x1b: {  	s9 =	sadd.s32 $0xFFFFFEF7, lr;
	s5 =	simm.s32 $0xFFFFFFFF;
	p2 =	slt.u32 s8, $0xFFFFF086  }
0x1c: {  	p1 =	slt.u32 s9, $0xF7A;
	s5 =	simm.s32 @!p2 $0x0  }
0x1d: {  	s5 =	simm.s32 @p1 $0x1;
	p0 =	seq.s32 s7, s2  }
0x1e: {  	s7 =	smul.u32 @!p0 $0xF7A, s2;
	p2 =	seq.s32 @!p0 s5, $0x0  }
0x1f: {  	s9 =	smul.u32 $0xF7A, s1;
	s8 =	simm.s32 @!p0 $0x1BF5;
	p2 =	por !p2, p0  }
0x20: {  	[sflag:s8] =	ssyncset.s32 @!p0 $0xFFFFF086;
	s6 =	sadd.s32 @!p0 s3, s7;
	s7 =	simm.s32 @!p0 $0x108  }
0x21: {  	s3 =	sadd.s32 s3, s9;
	s6 =	sadd.s32 @!p0 $0x88, s6;
	s7 =	simm.s32 @p2 $0x1082  }
0x22: {  	[simem:s7], [sflag:s8] =	dma.local @!p0 [hbm:s6], $0xF7A  }
0x23: {  	s9 =	sor.u32 $0xD0000000, s2;
	s6 =	simm.s32 $0x108;
	_ =	swait.ge @!p0 [sflag:s8], $0x0  }
0x24: {  	s3 =	sadd.s32 $0x88, s3;
	s6 =	simm.s32 @!p1 $0x1082;
	[sflag:s4] =	ssyncset.s32 $0xFFFFF086  }
0x25: {  	[simem:s6], [sflag:s4] =	dma.local [hbm:s3], $0xF7A  }
0x26: {  	[smem:$0x3F9D] =	sst s1;
	(tag) =	ssettag s2;
	_ =	strace s9  }
0x27: {  	s1 =	sld [smem:$0x3FAD]  }
0x28: {  	s2 =	sld [smem:$0x3FAE]  }
0x29: {  	s4 =	sld [smem:$0x3FB0]  }
0x2a: {  	p0 =	seq.s32 s5, $0x0;
	s5 =	sld [smem:$0x3FB1]  }
0x2b: {  	s6 =	sld [smem:$0x3FB2]  }
0x2c: {  	s7 =	sld [smem:$0x3FB3]  }
0x2d: {  	s3 =	simm.s32 $0x108;
	s8 =	sld [smem:$0x3FB4]  }
0x2e: {  	s3 =	simm.s32 @!p0 $0x1082;
	s9 =	sld [smem:$0x3FB5]  }
0x2f: {  	lr =	sadd.s32 s0, s3;
	s0 =	sld [smem:$0x3FAC]  }
0x30: {  	s3 =	sld [smem:$0x3FAF]  }
0x31: {  	[smem:$0x3FB8] =	sst s10  }
0x32: {  	s10 =	sld [smem:$0x3FB6];
	_ =	sdelay $0x3  }
0x33: {  	p0 =	seq.s32 s10, $0x1;
	s10 =	sld [smem:$0x3FB8];
	_ =	sdelay $0x3  }
0x34: {  	[smem:$0x3FB8] =	sst s10  }
0x35: {  	s10 =	sld [smem:$0x3FB7];
	_ =	sdelay $0x3  }
0x36: {  	p1 =	seq.s32 s10, $0x1;
	s10 =	sld [smem:$0x3FB8];
	_ =	sdelay $0x3  }
0x37: {  	[smem:$0x3FB8] =	sst s10  }
0x38: {  	s10 =	sld [smem:$0x3FB9]  }
0x39: {  	_ = 	snop;
	(pc) =	sbr.ind lr, $3  }
0x3a: {  	_ = 	snop  }
0x3b: {  	_ = 	snop  }
0x3c: {  	p2 =	seq.s32 s10, $0x1;
	s10 =	sld [smem:$0x3FB8]  }
0x3d: {  	_ =	shalt  }
0x3e: {  	_ =	shalt  }
0x3f: {  	_ =	shalt  }
0x40: {  	_ =	shalt  }
0x41: {  	_ =	shalt  }
0x42: {  	_ =	shalt  }
0x43: {  	_ =	shalt  }
0x44: {  	_ =	shalt  }
0x45: {  	_ =	shalt  }
0x46: {  	_ =	shalt  }
0x47: {  	_ =	shalt  }
0x48: {  	_ =	shalt  }
0x49: {  	_ =	shalt  }
0x4a: {  	_ =	shalt  }
0x4b: {  	_ =	shalt  }
0x4c: {  	_ =	shalt  }
0x4d: {  	_ =	shalt  }
0x4e: {  	_ =	shalt  }
0x4f: {  	_ =	shalt  }
0x50: {  	_ =	shalt  }
0x51: {  	_ =	shalt  }
0x52: {  	_ =	shalt  }
0x53: {  	_ =	shalt  }
0x54: {  	_ =	shalt  }
0x55: {  	_ =	shalt  }
0x56: {  	_ =	shalt  }
0x57: {  	_ =	shalt  }
0x58: {  	_ =	shalt  }
0x59: {  	_ =	shalt  }
0x5a: {  	_ =	shalt  }
0x5b: {  	_ =	shalt  }
0x5c: {  	_ =	shalt  }
0x5d: {  	_ =	shalt  }
0x5e: {  	_ =	shalt  }
0x5f: {  	_ =	shalt  }
0x60: {  	_ =	shalt  }
0x61: {  	_ =	shalt  }
0x62: {  	_ =	shalt  }
0x63: {  	_ =	shalt  }
0x64: {  	_ =	shalt  }
0x65: {  	_ =	shalt  }
0x66: {  	_ =	shalt  }
0x67: {  	_ =	shalt  }
0x68: {  	_ =	shalt  }
0x69: {  	_ =	shalt  }
0x6a: {  	_ =	shalt  }
0x6b: {  	_ =	shalt  }
0x6c: {  	_ =	shalt  }
0x6d: {  	_ =	shalt  }
0x6e: {  	_ =	shalt  }
0x6f: {  	_ =	shalt  }
0x70: {  	_ =	shalt  }
0x71: {  	_ =	shalt  }
0x72: {  	_ =	shalt  }
0x73: {  	_ =	shalt  }
0x74: {  	_ =	shalt  }
0x75: {  	_ =	shalt  }
0x76: {  	_ =	shalt  }
0x77: {  	_ =	shalt  }
0x78: {  	_ =	shalt  }
0x79: {  	_ =	shalt  }
0x7a: {  	_ =	shalt  }
0x7b: {  	_ =	shalt  }
0x7c: {  	_ =	shalt  }
0x7d: {  	_ =	shalt  }
0x7e: {  	_ =	shalt  }
0x7f: {  	_ =	shalt  }
0x80: {  	_ =	shalt  }
0x81: {  	_ =	shalt  }
0x82: {  	_ =	shalt  }
0x83: {  	_ =	shalt  }
0x84: {  	_ =	shalt  }
0x85: {  	_ =	shalt  }
0x86: {  	_ =	shalt  }
0x87: {  	_ =	shalt  }
.Lfunc_end0:
.L_simem_size_0:
called_computation.1_lowered:
.L_overlay_start_0:
0x88: {  	s2 =	sld [smem:$0x3FD9]  }
0x89: {  	s3 =	sld [smem:$0x3FFE];
	_ =	sdelay $0x1  }
0x8a: {  	s1 =	srdreg.scid  }
0x8b: {  	s0 =	sand.u32 $0x1, s1  }
0x8c: {  	s17 =	sshll.u32 s0, $0xA;
	s2 =	sadd.s32 s3, s2  }
0x8d: {  	s2 =	sadd.s32 s2, s17  }
0x8e: {  	[smem:$0x3FC4] =	sst s2  }
0x8f: {  	_ = 	snop  }
0x90: {  	s2 =	sld [smem:$0x3FC9]  }
0x91: {  	s18 =	sld [smem:$0x3FC7]  }
0x92: {  	s4 =	sld [smem:$0x3FC6]  }
0x93: {  	s5 =	sld [smem:$0x3FD0];
	(tm) =	ssettm $0x1  }
0x94: {  	s6 =	sld [smem:$0x3FFB];
	_ =	sdelay $0x3  }
0x95: {  	_ =	strace s6  }
0x96: {  	s6 =	sld [smem:$0x3FFC];
	_ =	sdelay $0x3  }
0x97: {  	_ =	strace s6  }
0x98: {  	s6 =	sld [smem:$0x3FFD];
	_ =	sdelay $0x3  }
0x99: {  	_ =	strace s6  }
0x9a: {  	_ =	strace $0x8FFFFFFF  }
0x9b: {  	s19 =	sld [smem:$0x3FDB];
	_ =	sdelay $0x1  }
0x9c: {  	s7 =	simm.s32 $_scs_section_size  }
0x9d: {  	s8 =	simm.s32 $_size__tile_overlayer_lowered;
	s9 =	simm.s32 $_tile_overlayer_lowered  }
0x9e: {  	s22 =	simm.s32 $0x1BFF;
	s21 =	sshll.u32 s9, $0x1;
	s6 =	sadd.s32 s7, s19  }
0x9f: {  	s10 =	simm.s32 $0x0;
	s20 =	sshll.u32 s8, $0x1;
	s8 =	sadd.s32 s21, s6  }
0xa0: {  	[timem:s10], [sflag:s22] =	dma.local [hbm:s8], s20  }
0xa1: {  	_ =	swait.ge [sflag:s22], s20  }
0xa2: {  	s7 =	ssub.s32 $0x0, s20;
	[sflag:s22] =	ssyncset.done $0x0  }
0xa3: {  	[sflag:s22] =	ssyncadd.s32 s7;
	_ =	sdelay $0x1  }
0xa4: {  	s23 =	simm.s32 $0x1B8B  }
0xa5: {  	_ =	swait.ge [sflag:s23], $0x1  }
0xa6: {  	[sflag:s23] =	ssyncset.done $0x0  }
0xa7: {  	s25 =	simm.s32 $0x1B8E;
	s24 =	sld [smem:$0x3FFE];
	[sflag:s23] =	ssyncadd.s32 $0xFFFFFFFF  }
0xa8: {  	s26 =	simm.s32 $execute0_lowered;
	[smem:$0x3FD2] =	sst s25  }
0xa9: {  	s8 =	sshll.u32 s26, $0x1;
	_ =	strace $0x80000049;
	[dreg:$0x1] =	wrdreg $0xFFFFFFFF  }
0xaa: {  	s28 =	simm.s32 $_size_execute0_lowered;
	s6 =	sadd.s32 s6, s8;
	[dreg:$0x0] =	wrdreg $0x0  }
0xab: {  	s8 =	sshll.u32 s28, $0x1;
	[dreg:$0x2] =	wrdreg s6  }
0xac: {  	[dreg:$0x3] =	wrdreg s8  }
0xad: {  	[dreg:$0x4] =	wrdreg $0xC0  }
0xae: {  	_ =	task [dreg:s10], $0x5FFFF  }
0xaf: {  	[dreg:$0x1] =	wrdreg $0xFFFFFFFF  }
0xb0: {  	[dreg:$0x0] =	wrdreg $0x60  }
0xb1: {  	[dreg:$0x2] =	wrdreg s2  }
0xb2: {  	[dreg:$0x3] =	wrdreg s24  }
0xb3: {  	[dreg:$0x4] =	wrdreg s18  }
0xb4: {  	[dreg:$0x5] =	wrdreg s4  }
0xb5: {  	[dreg:$0x6] =	wrdreg s5  }
0xb6: {  	[dreg:$0x7] =	wrdreg $0x9  }
0xb7: {  	_ =	task.clear_ibuf [dreg:s10], $0x8FFFF;
	_ =	strace $0x90000049  }
0xb8: {  	s29 =	simm.s32 $0x9;
	_ =	strace $0x8000004B  }
0xb9: {  	_ =	swait.ge [sflag:s29], $0x1  }
0xba: {  	[sflag:s29] =	ssyncadd.s32 $0xFFFFFFFF  }
0xbb: {  	_ =	strace $0x9000004B  }
0xbc: {  	_ =	sfence  }
0xbd: {  	s30 =	sld [smem:$0x0];
	_ =	sdelay $0x2  }
0xbe: {  	s31 =	sshll.u32 s1, $0xD;
	s1 =	sshrl.u32 s1, $0x2  }
0xbf: {  	s3 =	sand.u32 $0x4000, s31;
	s1 =	sadd.s32 s1, s30  }
0xc0: {  	s0 =	sor.u32 s3, s0;
	s1 =	sshll.u32 s1, $0x11  }
0xc1: {  	s0 =	sor.u32 s1, s0  }
0xc2: {  	s0 =	sadd.s32 $0x8F2B, s0  }
0xc3: {  	[sflag:s0] =	ssyncadd.remote.s32 $0x1  }
0xc4: {  	_ =	sfence.sel $0xFFFF  }
0xc5: {  	[dreg:$0x0] =	wrdreg $0xFFFFFFFF;
	(pc) =	sbr.abs _section_cstart, $3  }
0xc6: {  	[dreg:$0x1] =	wrdreg $0xFFFFFFFF  }
0xc7: {  	_ =	task.clear_ibuf [dreg:s10], $0x2FFFF;
	_ =	strace $0x9FFFFFFF  }
0xc8: {  	(tm) =	ssettm $0x7FFFFFFF  }
0xc9: {  	_ =	shalt  }
tec
execute0_lowered:
.L_overlay_start_1:
0x0: {  	(tag) =	ssettag $0x1  }
0x1: {  	s6 =	rddreg [dreg:$0x0]  }
0x2: {  	s5 =	rddreg [dreg:$0x1]  }
0x3: {  	s1 =	rddreg [dreg:$0x2]  }
0x4: {  	s3 =	rddreg [dreg:$0x3]  }
0x5: {  	s10 =	rddreg [dreg:$0x4];
	s4 =	srdreg.scid  }
0x6: {  	s0 =	rddreg [dreg:$0x5];
	s2 =	stileid.u32;
	s13 =	simm.s32 $0x2  }
0x7: {  	s14 =	simm.s32 $0x280;
	s15 =	simm.s32 $0x300;
	s16 =	simm.s32 $0x380  }
0x8: {  	s17 =	simm.s32 $0x80;
	s18 =	simm.s32 $0x400;
	s19 =	simm.s32 $0xC00  }
0x9: {  	s20 =	simm.s32 $0x1400;
	s21 =	simm.s32 $0x1C00;
	s22 =	simm.s32 $0x2400  }
0xa: {  	s23 =	simm.s32 $0x6110;
	s24 =	simm.s32 $0x1;
	s25 =	simm.s32 $0x6210  }
0xb: {  	s26 =	simm.s32 $0x0;
	s7 =	sand.u32 $0x1, s4;
	s4 =	simm.s32 $0x0  }
0xc: {  	s8 =	sshll.u32 s2, $0xA;
	s5 =	sadd.s32 $0x1E8E00, s5;
	s9 =	sshll.u32 s7, $0x9  }
0xd: {  	[smem:$0x7FF] =	sst s4;
	s7 =	ssub.s32 $0x2, s7;
	s9 =	sor.u32 s9, s8  }
0xe: {  	v0 =	vlaneseq.u32;
	_ =	strace $0x8000004A;
	s30 =	sshrl.u32 s7, $0x1;
	s11 =	sshrl.u32 s9, $0x3  }
0xf: {  	v1 =	vmul.u32 $0x4, v0;
	s12 =	ssub.s32 s7, s30;
	s31 =	sshll.u32 s9, $0x3;
	s6 =	sadd.s32 s6, s11  }
0x10: {  	s10 =	sadd.s32 s10, s31;
	s11 =	smax.u32 s12, $0x1;
	s12 =	simm.s32 $0x200  }
0x11: {  	v2 =	vor.u32 $0x1, v1;
	v3 =	vor.u32 $0x2, v1;
	v4 =	vor.u32 $0x3, v1;
	s7 =	sadd.s32 $0x10, s6;
	s8 =	sadd.s32 $0x20, s6;
	s9 =	sadd.s32 $0x30, s6  }
.LBB2_1:
0x12: {  	[tilespmem:s12], [sflag:$0x2] =	stream.linear.gather [hbm4b:s6+s4], $0x80, $0x38;
	[tilespmem:$0xE210] =	vst v63  }
0x13: {  	_ =	swait.ge [sflag:s13], $0x80  }
0x14: {  	[sflag:s13] =	ssyncset.done $0x0  }
0x15: {  	[sflag:s13] =	ssyncadd.s32 $0xFFFFFF80  }
0x16: {  	[tilespmem:s14], [sflag:$0x2] =	stream.linear.gather [hbm4b:s7+s4], $0x80, $0x38;
	[tilespmem:$0xE210] =	vst v63  }
0x17: {  	_ =	swait.ge [sflag:s13], $0x80  }
0x18: {  	[sflag:s13] =	ssyncset.done $0x0  }
0x19: {  	[sflag:s13] =	ssyncadd.s32 $0xFFFFFF80  }
0x1a: {  	[tilespmem:s15], [sflag:$0x2] =	stream.linear.gather [hbm4b:s8+s4], $0x80, $0x38;
	[tilespmem:$0xE210] =	vst v63  }
0x1b: {  	_ =	swait.ge [sflag:s13], $0x80  }
0x1c: {  	[sflag:s13] =	ssyncset.done $0x0  }
0x1d: {  	[sflag:s13] =	ssyncadd.s32 $0xFFFFFF80  }
0x1e: {  	[tilespmem:s16], [sflag:$0x2] =	stream.linear.gather [hbm4b:s9+s4], $0x80, $0x38;
	[tilespmem:$0xE210] =	vst v63  }
0x1f: {  	_ =	swait.ge [sflag:s13], $0x80  }
0x20: {  	[sflag:s13] =	ssyncset.done $0x0  }
0x21: {  	[sflag:s13] =	ssyncadd.s32 $0xFFFFFF80  }
0x22: {  	[tilespmem:s18], [sflag:$0x1] =	stream.indirect.gather [hbm4b:s5+s17], $0x10, s12, s17, $0xb8;
	[tilespmem:$0xE210] =	vst v63  }
0x23: {  	_ = 	snop  }
0x24: {  	[tilespmem:s19], [sflag:$0x1] =	stream.indirect.gather [hbm4b:s5+s17], $0x10, s14, s17, $0xb8;
	[tilespmem:$0xE210] =	vst v63  }
0x25: {  	_ = 	snop  }
0x26: {  	[tilespmem:s20], [sflag:$0x1] =	stream.indirect.gather [hbm4b:s5+s17], $0x10, s15, s17, $0xb8;
	[tilespmem:$0xE210] =	vst v63  }
0x27: {  	_ = 	snop  }
0x28: {  	[tilespmem:s21], [sflag:$0x1] =	stream.indirect.gather [hbm4b:s5+s17], $0x10, s16, s17, $0xb8;
	[tilespmem:$0xE210] =	vst v63  }
0x29: {  	_ = 	snop  }
0x2a: {  	[tilespmem:s4], [sflag:$0x2] =	stream.linear.gather [hbm4b:s6+s4], $0x200, $0x38;
	[tilespmem:$0xE210] =	vst v63  }
0x2b: {  	_ =	swait.ge [sflag:s13], $0x200  }
0x2c: {  	[sflag:s13] =	ssyncset.done $0x0  }
0x2d: {  	[sflag:s13] =	ssyncadd.s32 $0xFFFFFE00  }
0x2e: {  	[tilespmem:s22], [sflag:$0x2] =	stream.linear.gather [hbm4b:s1+s4], $0x3D10, $0x38;
	[tilespmem:$0xE210] =	vst v63  }
0x2f: {  	_ =	swait.ge [sflag:s13], $0x3D10  }
0x30: {  	[sflag:s13] =	ssyncset.done $0x0  }
0x31: {  	[sflag:s13] =	ssyncadd.s32 $0xFFFFC2F0  }
0x32: {  	[tilespmem:s23], [sflag:$0x2] =	stream.linear.gather [hbm4b:s3+s4], $0x100, $0x38;
	[tilespmem:$0xE210] =	vst v63  }
0x33: {  	_ =	swait.ge [sflag:s13], $0x100  }
0x34: {  	[sflag:s13] =	ssyncset.done $0x0  }
0x35: {  	[sflag:s13] =	ssyncadd.s32 $0xFFFFFF00  }
0x36: {  	_ =	swait.ge [sflag:s24], $0x800  }
0x37: {  	[sflag:s24] =	ssyncset.done $0x0  }
0x38: {  	[sflag:s24] =	ssyncadd.s32 $0xFFFFF800  }
0x39: {  	_ =	swait.ge [sflag:s24], $0x800  }
0x3a: {  	[sflag:s24] =	ssyncset.done $0x0  }
0x3b: {  	[sflag:s24] =	ssyncadd.s32 $0xFFFFF800  }
0x3c: {  	_ =	swait.ge [sflag:s24], $0x800  }
0x3d: {  	[sflag:s24] =	ssyncset.done $0x0  }
0x3e: {  	[sflag:s24] =	ssyncadd.s32 $0xFFFFF800  }
0x3f: {  	_ =	swait.ge [sflag:s24], $0x800  }
0x40: {  	[sflag:s24] =	ssyncset.done $0x0  }
0x41: {  	s28 =	simm.s32 $0xF;
	s29 =	simm.s32 $0x480;
	[sflag:s24] =	ssyncadd.s32 $0xFFFFF800  }
.LBB2_2:
0x42: {  	s30 =	sadd.s32 $0xFFFFFFF1, s28  }
0x43: {  	v5 =	vor.u32 s30, v0;
	_ =	sdelay $0x4  }
0x44: {  	v5 =	vld.idx.msk [tilespmem:v5+s4+$0x0], $0xffff;
	_ =	sdelay $0x1  }
0x45: {  	v6 =	vld [tilespmem:s29+$0xFFFFFF80];
	_ =	sdelay $0x2  }
0x46: {  	v5 =	vshrl.u32 v5, $0x6;
	_ =	sdelay $0x1  }
0x47: {  	v7 =	vand.u32 $0xFF, v6;
	_ =	sdelay $0x2  }
0x48: {  	v5 =	vld.idx.msk [tilespmem:v5+s22+$0x0], $0xffff;
	_ =	sdelay $0x1  }
0x49: {  	v8 =	vmov s30;
	v7 =	vld.idx.msk [tilespmem:v7+s23+$0x0], $0xffff  }
0x4a: {  	v8 =	vshll.u32 v8, $0x6  }
0x4b: {  	v9 =	vor.u32 v1, v8;
	v10 =	vshrl.u32 v6, $0x8  }
0x4c: {  	v10 =	vand.u32 $0xFF, v10;
	v11 =	vbroadcast v5, $0x0;
	_ =	sdelay $0x1  }
0x4d: {  	v7 =	vmul.f32 v7, v11;
	_ =	sdelay $0x1  }
0x4e: {  	[tilespmem:v9+s25+$0x0] =	vst.idx.msk $0xffff, v7  }
0x4f: {  	v7 =	vld.idx.msk [tilespmem:v10+s23+$0x0], $0xffff;
	_ =	sdelay $0x1  }
0x50: {  	v24 =	vor.u32 v2, v8;
	v25 =	vshrl.u32 v6, $0x10  }
0x51: {  	v10 =	vand.u32 $0xFF, v25;
	_ =	sdelay $0x1  }
0x52: {  	v7 =	vmul.f32 v7, v11;
	_ =	sdelay $0x1  }
0x53: {  	[tilespmem:v24+s25+$0x0] =	vst.idx.msk $0xffff, v7  }
0x54: {  	v7 =	vld.idx.msk [tilespmem:v10+s23+$0x0], $0xffff;
	_ =	sdelay $0x1  }
0x55: {  	v26 =	vor.u32 v3, v8  }
0x56: {  	v6 =	vshrl.u32 v6, $0x18;
	_ =	sdelay $0x1  }
0x57: {  	v7 =	vmul.f32 v7, v11;
	_ =	sdelay $0x1  }
0x58: {  	[tilespmem:v26+s25+$0x0] =	vst.idx.msk $0xffff, v7  }
0x59: {  	v6 =	vld.idx.msk [tilespmem:v6+s23+$0x0], $0xffff;
	_ =	sdelay $0x1  }
0x5a: {  	v7 =	vor.u32 v4, v8;
	_ =	sdelay $0x2  }
0x5b: {  	v6 =	vmul.f32 v6, v11;
	_ =	sdelay $0x1  }
0x5c: {  	[tilespmem:v7+s25+$0x0] =	vst.idx.msk $0xffff, v6  }
0x5d: {  	v6 =	vld [tilespmem:s29+$0xFFFFFF90];
	_ =	sdelay $0x4  }
0x5e: {  	v7 =	vand.u32 $0xFF, v6;
	_ =	sdelay $0x4  }
0x5f: {  	s30 =	sshll.u32 s28, $0x6;
	v7 =	vld.idx.msk [tilespmem:v7+s23+$0x0], $0xffff  }
0x60: {  	s31 =	sadd.s32 $0xFFFFFC80, s30  }
0x61: {  	v27 =	vor.u32 s31, v1;
	v28 =	vshrl.u32 v6, $0x8  }
0x62: {  	v29 =	vbroadcast v5, $0x1;
	v9 =	vand.u32 $0xFF, v28;
	_ =	sdelay $0x1  }
0x63: {  	v7 =	vmul.f32 v7, v29;
	_ =	sdelay $0x1  }
0x64: {  	[tilespmem:v27+s25+$0x0] =	vst.idx.msk $0xffff, v7  }
0x65: {  	v7 =	vld.idx.msk [tilespmem:v9+s23+$0x0], $0xffff;
	_ =	sdelay $0x1  }
0x66: {  	v30 =	vor.u32 s31, v2;
	v31 =	vshrl.u32 v6, $0x10  }
0x67: {  	v9 =	vand.u32 $0xFF, v31;
	_ =	sdelay $0x1  }
0x68: {  	v7 =	vmul.f32 v7, v29;
	_ =	sdelay $0x1  }
0x69: {  	[tilespmem:v30+s25+$0x0] =	vst.idx.msk $0xffff, v7  }
0x6a: {  	v7 =	vld.idx.msk [tilespmem:v9+s23+$0x0], $0xffff;
	_ =	sdelay $0x1  }
0x6b: {  	v32 =	vor.u32 s31, v3  }
0x6c: {  	v6 =	vshrl.u32 v6, $0x18;
	_ =	sdelay $0x1  }
0x6d: {  	v7 =	vmul.f32 v7, v29;
	_ =	sdelay $0x1  }
0x6e: {  	[tilespmem:v32+s25+$0x0] =	vst.idx.msk $0xffff, v7  }
0x6f: {  	v6 =	vld.idx.msk [tilespmem:v6+s23+$0x0], $0xffff;
	_ =	sdelay $0x1  }
0x70: {  	v7 =	vor.u32 s31, v4;
	_ =	sdelay $0x2  }
0x71: {  	v6 =	vmul.f32 v6, v29;
	_ =	sdelay $0x1  }
0x72: {  	[tilespmem:v7+s25+$0x0] =	vst.idx.msk $0xffff, v6  }
0x73: {  	v6 =	vld [tilespmem:s29+$0xFFFFFFA0];
	_ =	sdelay $0x4  }
0x74: {  	v7 =	vand.u32 $0xFF, v6;
	_ =	sdelay $0x4  }
0x75: {  	v7 =	vld.idx.msk [tilespmem:v7+s23+$0x0], $0xffff  }
0x76: {  	s31 =	sadd.s32 $0xFFFFFCC0, s30  }
0x77: {  	v33 =	vor.u32 s31, v1;
	v34 =	vshrl.u32 v6, $0x8  }
0x78: {  	v35 =	vbroadcast v5, $0x2;
	v9 =	vand.u32 $0xFF, v34;
	_ =	sdelay $0x1  }
0x79: {  	v7 =	vmul.f32 v7, v35;
	_ =	sdelay $0x1  }
0x7a: {  	[tilespmem:v33+s25+$0x0] =	vst.idx.msk $0xffff, v7  }
0x7b: {  	v7 =	vld.idx.msk [tilespmem:v9+s23+$0x0], $0xffff;
	_ =	sdelay $0x1  }
0x7c: {  	v36 =	vor.u32 s31, v2;
	v37 =	vshrl.u32 v6, $0x10  }
0x7d: {  	v9 =	vand.u32 $0xFF, v37;
	_ =	sdelay $0x1  }
0x7e: {  	v7 =	vmul.f32 v7, v35;
	_ =	sdelay $0x1  }
0x7f: {  	[tilespmem:v36+s25+$0x0] =	vst.idx.msk $0xffff, v7  }
0x80: {  	v7 =	vld.idx.msk [tilespmem:v9+s23+$0x0], $0xffff;
	_ =	sdelay $0x1  }
0x81: {  	v38 =	vor.u32 s31, v3  }
0x82: {  	v6 =	vshrl.u32 v6, $0x18;
	_ =	sdelay $0x1  }
0x83: {  	v7 =	vmul.f32 v7, v35;
	_ =	sdelay $0x1  }
0x84: {  	[tilespmem:v38+s25+$0x0] =	vst.idx.msk $0xffff, v7  }
0x85: {  	v6 =	vld.idx.msk [tilespmem:v6+s23+$0x0], $0xffff;
	_ =	sdelay $0x1  }
0x86: {  	v7 =	vor.u32 s31, v4;
	_ =	sdelay $0x2  }
0x87: {  	v6 =	vmul.f32 v6, v35;
	_ =	sdelay $0x1  }
0x88: {  	[tilespmem:v7+s25+$0x0] =	vst.idx.msk $0xffff, v6  }
0x89: {  	v6 =	vld [tilespmem:s29+$0xFFFFFFB0];
	_ =	sdelay $0x4  }
0x8a: {  	v7 =	vand.u32 $0xFF, v6;
	_ =	sdelay $0x4  }
0x8b: {  	v7 =	vld.idx.msk [tilespmem:v7+s23+$0x0], $0xffff  }
0x8c: {  	s31 =	sadd.s32 $0xFFFFFD00, s30  }
0x8d: {  	v39 =	vor.u32 s31, v1;
	v40 =	vshrl.u32 v6, $0x8  }
0x8e: {  	v41 =	vbroadcast v5, $0x3;
	v9 =	vand.u32 $0xFF, v40;
	_ =	sdelay $0x1  }
0x8f: {  	v7 =	vmul.f32 v7, v41;
	_ =	sdelay $0x1  }
0x90: {  	[tilespmem:v39+s25+$0x0] =	vst.idx.msk $0xffff, v7  }
0x91: {  	v7 =	vld.idx.msk [tilespmem:v9+s23+$0x0], $0xffff;
	_ =	sdelay $0x1  }
0x92: {  	v42 =	vor.u32 s31, v2;
	v43 =	vshrl.u32 v6, $0x10  }
0x93: {  	v9 =	vand.u32 $0xFF, v43;
	_ =	sdelay $0x1  }
0x94: {  	v7 =	vmul.f32 v7, v41;
	_ =	sdelay $0x1  }
0x95: {  	[tilespmem:v42+s25+$0x0] =	vst.idx.msk $0xffff, v7  }
0x96: {  	v7 =	vld.idx.msk [tilespmem:v9+s23+$0x0], $0xffff;
	_ =	sdelay $0x1  }
0x97: {  	v44 =	vor.u32 s31, v3  }
0x98: {  	v6 =	vshrl.u32 v6, $0x18;
	_ =	sdelay $0x1  }
0x99: {  	v7 =	vmul.f32 v7, v41;
	_ =	sdelay $0x1  }
0x9a: {  	[tilespmem:v44+s25+$0x0] =	vst.idx.msk $0xffff, v7  }
0x9b: {  	v6 =	vld.idx.msk [tilespmem:v6+s23+$0x0], $0xffff;
	_ =	sdelay $0x1  }
0x9c: {  	v7 =	vor.u32 s31, v4;
	_ =	sdelay $0x2  }
0x9d: {  	v6 =	vmul.f32 v6, v41;
	_ =	sdelay $0x1  }
0x9e: {  	[tilespmem:v7+s25+$0x0] =	vst.idx.msk $0xffff, v6  }
0x9f: {  	v6 =	vld [tilespmem:s29+$0xFFFFFFC0];
	_ =	sdelay $0x4  }
0xa0: {  	v7 =	vand.u32 $0xFF, v6;
	_ =	sdelay $0x4  }
0xa1: {  	v7 =	vld.idx.msk [tilespmem:v7+s23+$0x0], $0xffff  }
0xa2: {  	s31 =	sadd.s32 $0xFFFFFD40, s30  }
0xa3: {  	v45 =	vor.u32 s31, v1;
	v46 =	vshrl.u32 v6, $0x8  }
0xa4: {  	v47 =	vbroadcast v5, $0x4;
	v9 =	vand.u32 $0xFF, v46;
	_ =	sdelay $0x1  }
0xa5: {  	v7 =	vmul.f32 v7, v47;
	_ =	sdelay $0x1  }
0xa6: {  	[tilespmem:v45+s25+$0x0] =	vst.idx.msk $0xffff, v7  }
0xa7: {  	v7 =	vld.idx.msk [tilespmem:v9+s23+$0x0], $0xffff;
	_ =	sdelay $0x1  }
0xa8: {  	v48 =	vor.u32 s31, v2;
	v49 =	vshrl.u32 v6, $0x10  }
0xa9: {  	v9 =	vand.u32 $0xFF, v49;
	_ =	sdelay $0x1  }
0xaa: {  	v7 =	vmul.f32 v7, v47;
	_ =	sdelay $0x1  }
0xab: {  	[tilespmem:v48+s25+$0x0] =	vst.idx.msk $0xffff, v7  }
0xac: {  	v7 =	vld.idx.msk [tilespmem:v9+s23+$0x0], $0xffff;
	_ =	sdelay $0x1  }
0xad: {  	v50 =	vor.u32 s31, v3  }
0xae: {  	v6 =	vshrl.u32 v6, $0x18;
	_ =	sdelay $0x1  }
0xaf: {  	v7 =	vmul.f32 v7, v47;
	_ =	sdelay $0x1  }
0xb0: {  	[tilespmem:v50+s25+$0x0] =	vst.idx.msk $0xffff, v7  }
0xb1: {  	v6 =	vld.idx.msk [tilespmem:v6+s23+$0x0], $0xffff;
	_ =	sdelay $0x1  }
0xb2: {  	v7 =	vor.u32 s31, v4;
	_ =	sdelay $0x2  }
0xb3: {  	v6 =	vmul.f32 v6, v47;
	_ =	sdelay $0x1  }
0xb4: {  	[tilespmem:v7+s25+$0x0] =	vst.idx.msk $0xffff, v6  }
0xb5: {  	v6 =	vld [tilespmem:s29+$0xFFFFFFD0];
	_ =	sdelay $0x4  }
0xb6: {  	v7 =	vand.u32 $0xFF, v6;
	_ =	sdelay $0x4  }
0xb7: {  	v7 =	vld.idx.msk [tilespmem:v7+s23+$0x0], $0xffff  }
0xb8: {  	s31 =	sadd.s32 $0xFFFFFD80, s30  }
0xb9: {  	v51 =	vor.u32 s31, v1;
	v52 =	vshrl.u32 v6, $0x8  }
0xba: {  	v53 =	vbroadcast v5, $0x5;
	v9 =	vand.u32 $0xFF, v52;
	_ =	sdelay $0x1  }
0xbb: {  	v7 =	vmul.f32 v7, v53;
	_ =	sdelay $0x1  }
0xbc: {  	[tilespmem:v51+s25+$0x0] =	vst.idx.msk $0xffff, v7  }
0xbd: {  	v7 =	vld.idx.msk [tilespmem:v9+s23+$0x0], $0xffff;
	_ =	sdelay $0x1  }
0xbe: {  	v54 =	vor.u32 s31, v2;
	v55 =	vshrl.u32 v6, $0x10  }
0xbf: {  	v9 =	vand.u32 $0xFF, v55;
	_ =	sdelay $0x1  }
0xc0: {  	v7 =	vmul.f32 v7, v53;
	_ =	sdelay $0x1  }
0xc1: {  	[tilespmem:v54+s25+$0x0] =	vst.idx.msk $0xffff, v7  }
0xc2: {  	v7 =	vld.idx.msk [tilespmem:v9+s23+$0x0], $0xffff;
	_ =	sdelay $0x1  }
0xc3: {  	v56 =	vor.u32 s31, v3  }
0xc4: {  	v6 =	vshrl.u32 v6, $0x18;
	_ =	sdelay $0x1  }
0xc5: {  	v7 =	vmul.f32 v7, v53;
	_ =	sdelay $0x1  }
0xc6: {  	[tilespmem:v56+s25+$0x0] =	vst.idx.msk $0xffff, v7  }
0xc7: {  	v6 =	vld.idx.msk [tilespmem:v6+s23+$0x0], $0xffff;
	_ =	sdelay $0x1  }
0xc8: {  	v7 =	vor.u32 s31, v4;
	_ =	sdelay $0x2  }
0xc9: {  	v6 =	vmul.f32 v6, v53;
	_ =	sdelay $0x1  }
0xca: {  	[tilespmem:v7+s25+$0x0] =	vst.idx.msk $0xffff, v6  }
0xcb: {  	v6 =	vld [tilespmem:s29+$0xFFFFFFE0];
	_ =	sdelay $0x4  }
0xcc: {  	v7 =	vand.u32 $0xFF, v6;
	_ =	sdelay $0x4  }
0xcd: {  	v7 =	vld.idx.msk [tilespmem:v7+s23+$0x0], $0xffff  }
0xce: {  	s31 =	sadd.s32 $0xFFFFFDC0, s30  }
0xcf: {  	v57 =	vor.u32 s31, v1;
	v58 =	vshrl.u32 v6, $0x8  }
0xd0: {  	v59 =	vbroadcast v5, $0x6;
	v9 =	vand.u32 $0xFF, v58;
	_ =	sdelay $0x1  }
0xd1: {  	v7 =	vmul.f32 v7, v59;
	_ =	sdelay $0x1  }
0xd2: {  	[tilespmem:v57+s25+$0x0] =	vst.idx.msk $0xffff, v7  }
0xd3: {  	v7 =	vld.idx.msk [tilespmem:v9+s23+$0x0], $0xffff;
	_ =	sdelay $0x1  }
0xd4: {  	v60 =	vor.u32 s31, v2;
	v61 =	vshrl.u32 v6, $0x10  }
0xd5: {  	v9 =	vand.u32 $0xFF, v61;
	_ =	sdelay $0x1  }
0xd6: {  	v7 =	vmul.f32 v7, v59;
	_ =	sdelay $0x1  }
0xd7: {  	[tilespmem:v60+s25+$0x0] =	vst.idx.msk $0xffff, v7  }
0xd8: {  	v7 =	vld.idx.msk [tilespmem:v9+s23+$0x0], $0xffff;
	_ =	sdelay $0x1  }
0xd9: {  	v62 =	vor.u32 s31, v3  }
0xda: {  	v6 =	vshrl.u32 v6, $0x18;
	_ =	sdelay $0x1  }
0xdb: {  	v7 =	vmul.f32 v7, v59;
	_ =	sdelay $0x1  }
0xdc: {  	[tilespmem:v62+s25+$0x0] =	vst.idx.msk $0xffff, v7  }
0xdd: {  	v6 =	vld.idx.msk [tilespmem:v6+s23+$0x0], $0xffff;
	_ =	sdelay $0x1  }
0xde: {  	v7 =	vor.u32 s31, v4;
	_ =	sdelay $0x2  }
0xdf: {  	v6 =	vmul.f32 v6, v59;
	_ =	sdelay $0x1  }
0xe0: {  	[tilespmem:v7+s25+$0x0] =	vst.idx.msk $0xffff, v6  }
0xe1: {  	v6 =	vld [tilespmem:s29+$0xFFFFFFF0];
	_ =	sdelay $0x4  }
0xe2: {  	v7 =	vand.u32 $0xFF, v6;
	_ =	sdelay $0x4  }
0xe3: {  	v7 =	vld.idx.msk [tilespmem:v7+s23+$0x0], $0xffff  }
0xe4: {  	s31 =	sadd.s32 $0xFFFFFE00, s30  }
0xe5: {  	v63 =	vor.u32 s31, v1;
	v12 =	vshrl.u32 v6, $0x8  }
0xe6: {  	v13 =	vbroadcast v5, $0x7;
	v9 =	vand.u32 $0xFF, v12;
	_ =	sdelay $0x1  }
0xe7: {  	v7 =	vmul.f32 v7, v13;
	_ =	sdelay $0x1  }
0xe8: {  	[tilespmem:v63+s25+$0x0] =	vst.idx.msk $0xffff, v7  }
0xe9: {  	v7 =	vld.idx.msk [tilespmem:v9+s23+$0x0], $0xffff;
	_ =	sdelay $0x1  }
0xea: {  	v14 =	vor.u32 s31, v2;
	v15 =	vshrl.u32 v6, $0x10  }
0xeb: {  	v9 =	vand.u32 $0xFF, v15;
	_ =	sdelay $0x1  }
0xec: {  	v7 =	vmul.f32 v7, v13;
	_ =	sdelay $0x1  }
0xed: {  	[tilespmem:v14+s25+$0x0] =	vst.idx.msk $0xffff, v7  }
0xee: {  	v7 =	vld.idx.msk [tilespmem:v9+s23+$0x0], $0xffff;
	_ =	sdelay $0x1  }
0xef: {  	v16 =	vor.u32 s31, v3  }
0xf0: {  	v6 =	vshrl.u32 v6, $0x18;
	_ =	sdelay $0x1  }
0xf1: {  	v7 =	vmul.f32 v7, v13;
	_ =	sdelay $0x1  }
0xf2: {  	[tilespmem:v16+s25+$0x0] =	vst.idx.msk $0xffff, v7  }
0xf3: {  	v6 =	vld.idx.msk [tilespmem:v6+s23+$0x0], $0xffff;
	_ =	sdelay $0x1  }
0xf4: {  	v7 =	vor.u32 s31, v4;
	_ =	sdelay $0x2  }
0xf5: {  	v6 =	vmul.f32 v6, v13;
	_ =	sdelay $0x1  }
0xf6: {  	[tilespmem:v7+s25+$0x0] =	vst.idx.msk $0xffff, v6  }
0xf7: {  	v6 =	vld [tilespmem:s29+$0x0];
	_ =	sdelay $0x4  }
0xf8: {  	v7 =	vand.u32 $0xFF, v6;
	_ =	sdelay $0x4  }
0xf9: {  	v7 =	vld.idx.msk [tilespmem:v7+s23+$0x0], $0xffff  }
0xfa: {  	s31 =	sadd.s32 $0xFFFFFE40, s30  }
0xfb: {  	v17 =	vor.u32 s31, v1;
	v18 =	vshrl.u32 v6, $0x8  }
0xfc: {  	v19 =	vbroadcast v5, $0x8;
	v9 =	vand.u32 $0xFF, v18;
	_ =	sdelay $0x1  }
0xfd: {  	v7 =	vmul.f32 v7, v19;
	_ =	sdelay $0x1  }
0xfe: {  	[tilespmem:v17+s25+$0x0] =	vst.idx.msk $0xffff, v7  }
0xff: {  	v7 =	vld.idx.msk [tilespmem:v9+s23+$0x0], $0xffff;
	_ =	sdelay $0x1  }
0x100: {  	v20 =	vor.u32 s31, v2;
	v21 =	vshrl.u32 v6, $0x10  }
0x101: {  	v9 =	vand.u32 $0xFF, v21;
	_ =	sdelay $0x1  }
0x102: {  	v7 =	vmul.f32 v7, v19;
	_ =	sdelay $0x1  }
0x103: {  	[tilespmem:v20+s25+$0x0] =	vst.idx.msk $0xffff, v7  }
0x104: {  	v7 =	vld.idx.msk [tilespmem:v9+s23+$0x0], $0xffff;
	_ =	sdelay $0x1  }
0x105: {  	v22 =	vor.u32 s31, v3  }
0x106: {  	v6 =	vshrl.u32 v6, $0x18;
	_ =	sdelay $0x1  }
0x107: {  	v7 =	vmul.f32 v7, v19;
	_ =	sdelay $0x1  }
0x108: {  	[tilespmem:v22+s25+$0x0] =	vst.idx.msk $0xffff, v7  }
0x109: {  	v6 =	vld.idx.msk [tilespmem:v6+s23+$0x0], $0xffff;
	_ =	sdelay $0x1  }
0x10a: {  	v7 =	vor.u32 s31, v4;
	_ =	sdelay $0x2  }
0x10b: {  	v6 =	vmul.f32 v6, v19;
	_ =	sdelay $0x1  }
0x10c: {  	[tilespmem:v7+s25+$0x0] =	vst.idx.msk $0xffff, v6  }
0x10d: {  	v6 =	vld [tilespmem:s29+$0x10];
	_ =	sdelay $0x4  }
0x10e: {  	v7 =	vand.u32 $0xFF, v6;
	_ =	sdelay $0x4  }
0x10f: {  	v7 =	vld.idx.msk [tilespmem:v7+s23+$0x0], $0xffff  }
0x110: {  	s31 =	sadd.s32 $0xFFFFFE80, s30  }
0x111: {  	v23 =	vor.u32 s31, v1;
	v24 =	vshrl.u32 v6, $0x8  }
0x112: {  	v25 =	vbroadcast v5, $0x9;
	v9 =	vand.u32 $0xFF, v24;
	_ =	sdelay $0x1  }
0x113: {  	v7 =	vmul.f32 v7, v25;
	_ =	sdelay $0x1  }
0x114: {  	[tilespmem:v23+s25+$0x0] =	vst.idx.msk $0xffff, v7  }
0x115: {  	v7 =	vld.idx.msk [tilespmem:v9+s23+$0x0], $0xffff;
	_ =	sdelay $0x1  }
0x116: {  	v26 =	vor.u32 s31, v2;
	v27 =	vshrl.u32 v6, $0x10  }
0x117: {  	v9 =	vand.u32 $0xFF, v27;
	_ =	sdelay $0x1  }
0x118: {  	v7 =	vmul.f32 v7, v25;
	_ =	sdelay $0x1  }
0x119: {  	[tilespmem:v26+s25+$0x0] =	vst.idx.msk $0xffff, v7  }
0x11a: {  	v7 =	vld.idx.msk [tilespmem:v9+s23+$0x0], $0xffff;
	_ =	sdelay $0x1  }
0x11b: {  	v28 =	vor.u32 s31, v3  }
0x11c: {  	v6 =	vshrl.u32 v6, $0x18;
	_ =	sdelay $0x1  }
0x11d: {  	v7 =	vmul.f32 v7, v25;
	_ =	sdelay $0x1  }
0x11e: {  	[tilespmem:v28+s25+$0x0] =	vst.idx.msk $0xffff, v7  }
0x11f: {  	v6 =	vld.idx.msk [tilespmem:v6+s23+$0x0], $0xffff;
	_ =	sdelay $0x1  }
0x120: {  	v7 =	vor.u32 s31, v4;
	_ =	sdelay $0x2  }
0x121: {  	v6 =	vmul.f32 v6, v25;
	_ =	sdelay $0x1  }
0x122: {  	[tilespmem:v7+s25+$0x0] =	vst.idx.msk $0xffff, v6  }
0x123: {  	v6 =	vld [tilespmem:s29+$0x20];
	_ =	sdelay $0x4  }
0x124: {  	v7 =	vand.u32 $0xFF, v6;
	_ =	sdelay $0x4  }
0x125: {  	v7 =	vld.idx.msk [tilespmem:v7+s23+$0x0], $0xffff  }
0x126: {  	s31 =	sadd.s32 $0xFFFFFEC0, s30  }
0x127: {  	v29 =	vor.u32 s31, v1;
	v30 =	vshrl.u32 v6, $0x8  }
0x128: {  	v31 =	vbroadcast v5, $0xA;
	v9 =	vand.u32 $0xFF, v30;
	_ =	sdelay $0x1  }
0x129: {  	v7 =	vmul.f32 v7, v31;
	_ =	sdelay $0x1  }
0x12a: {  	[tilespmem:v29+s25+$0x0] =	vst.idx.msk $0xffff, v7  }
0x12b: {  	v7 =	vld.idx.msk [tilespmem:v9+s23+$0x0], $0xffff;
	_ =	sdelay $0x1  }
0x12c: {  	v32 =	vor.u32 s31, v2;
	v33 =	vshrl.u32 v6, $0x10  }
0x12d: {  	v9 =	vand.u32 $0xFF, v33;
	_ =	sdelay $0x1  }
0x12e: {  	v7 =	vmul.f32 v7, v31;
	_ =	sdelay $0x1  }
0x12f: {  	[tilespmem:v32+s25+$0x0] =	vst.idx.msk $0xffff, v7  }
0x130: {  	v7 =	vld.idx.msk [tilespmem:v9+s23+$0x0], $0xffff;
	_ =	sdelay $0x1  }
0x131: {  	v34 =	vor.u32 s31, v3  }
0x132: {  	v6 =	vshrl.u32 v6, $0x18;
	_ =	sdelay $0x1  }
0x133: {  	v7 =	vmul.f32 v7, v31;
	_ =	sdelay $0x1  }
0x134: {  	[tilespmem:v34+s25+$0x0] =	vst.idx.msk $0xffff, v7  }
0x135: {  	v6 =	vld.idx.msk [tilespmem:v6+s23+$0x0], $0xffff;
	_ =	sdelay $0x1  }
0x136: {  	v7 =	vor.u32 s31, v4;
	_ =	sdelay $0x2  }
0x137: {  	v6 =	vmul.f32 v6, v31;
	_ =	sdelay $0x1  }
0x138: {  	[tilespmem:v7+s25+$0x0] =	vst.idx.msk $0xffff, v6  }
0x139: {  	v6 =	vld [tilespmem:s29+$0x30];
	_ =	sdelay $0x4  }
0x13a: {  	v7 =	vand.u32 $0xFF, v6;
	_ =	sdelay $0x4  }
0x13b: {  	v7 =	vld.idx.msk [tilespmem:v7+s23+$0x0], $0xffff  }
0x13c: {  	s31 =	sadd.s32 $0xFFFFFF00, s30  }
0x13d: {  	v35 =	vor.u32 s31, v1;
	v36 =	vshrl.u32 v6, $0x8  }
0x13e: {  	v37 =	vbroadcast v5, $0xB;
	v9 =	vand.u32 $0xFF, v36;
	_ =	sdelay $0x1  }
0x13f: {  	v7 =	vmul.f32 v7, v37;
	_ =	sdelay $0x1  }
0x140: {  	[tilespmem:v35+s25+$0x0] =	vst.idx.msk $0xffff, v7  }
0x141: {  	v7 =	vld.idx.msk [tilespmem:v9+s23+$0x0], $0xffff;
	_ =	sdelay $0x1  }
0x142: {  	v38 =	vor.u32 s31, v2;
	v39 =	vshrl.u32 v6, $0x10  }
0x143: {  	v9 =	vand.u32 $0xFF, v39;
	_ =	sdelay $0x1  }
0x144: {  	v7 =	vmul.f32 v7, v37;
	_ =	sdelay $0x1  }
0x145: {  	[tilespmem:v38+s25+$0x0] =	vst.idx.msk $0xffff, v7  }
0x146: {  	v7 =	vld.idx.msk [tilespmem:v9+s23+$0x0], $0xffff;
	_ =	sdelay $0x1  }
0x147: {  	v40 =	vor.u32 s31, v3  }
0x148: {  	v6 =	vshrl.u32 v6, $0x18;
	_ =	sdelay $0x1  }
0x149: {  	v7 =	vmul.f32 v7, v37;
	_ =	sdelay $0x1  }
0x14a: {  	[tilespmem:v40+s25+$0x0] =	vst.idx.msk $0xffff, v7  }
0x14b: {  	v6 =	vld.idx.msk [tilespmem:v6+s23+$0x0], $0xffff;
	_ =	sdelay $0x1  }
0x14c: {  	v7 =	vor.u32 s31, v4;
	_ =	sdelay $0x2  }
0x14d: {  	v6 =	vmul.f32 v6, v37;
	_ =	sdelay $0x1  }
0x14e: {  	[tilespmem:v7+s25+$0x0] =	vst.idx.msk $0xffff, v6  }
0x14f: {  	v6 =	vld [tilespmem:s29+$0x40];
	_ =	sdelay $0x4  }
0x150: {  	v7 =	vand.u32 $0xFF, v6;
	_ =	sdelay $0x4  }
0x151: {  	v7 =	vld.idx.msk [tilespmem:v7+s23+$0x0], $0xffff  }
0x152: {  	s31 =	sadd.s32 $0xFFFFFF40, s30  }
0x153: {  	v41 =	vor.u32 s31, v1;
	v42 =	vshrl.u32 v6, $0x8  }
0x154: {  	v43 =	vbroadcast v5, $0xC;
	v9 =	vand.u32 $0xFF, v42;
	_ =	sdelay $0x1  }
0x155: {  	v7 =	vmul.f32 v7, v43;
	_ =	sdelay $0x1  }
0x156: {  	[tilespmem:v41+s25+$0x0] =	vst.idx.msk $0xffff, v7  }
0x157: {  	v7 =	vld.idx.msk [tilespmem:v9+s23+$0x0], $0xffff;
	_ =	sdelay $0x1  }
0x158: {  	v44 =	vor.u32 s31, v2;
	v45 =	vshrl.u32 v6, $0x10  }
0x159: {  	v9 =	vand.u32 $0xFF, v45;
	_ =	sdelay $0x1  }
0x15a: {  	v7 =	vmul.f32 v7, v43;
	_ =	sdelay $0x1  }
0x15b: {  	[tilespmem:v44+s25+$0x0] =	vst.idx.msk $0xffff, v7  }
0x15c: {  	v7 =	vld.idx.msk [tilespmem:v9+s23+$0x0], $0xffff;
	_ =	sdelay $0x1  }
0x15d: {  	v46 =	vor.u32 s31, v3  }
0x15e: {  	v6 =	vshrl.u32 v6, $0x18;
	_ =	sdelay $0x1  }
0x15f: {  	v7 =	vmul.f32 v7, v43;
	_ =	sdelay $0x1  }
0x160: {  	[tilespmem:v46+s25+$0x0] =	vst.idx.msk $0xffff, v7  }
0x161: {  	v6 =	vld.idx.msk [tilespmem:v6+s23+$0x0], $0xffff;
	_ =	sdelay $0x1  }
0x162: {  	v7 =	vor.u32 s31, v4;
	_ =	sdelay $0x2  }
0x163: {  	v6 =	vmul.f32 v6, v43;
	_ =	sdelay $0x1  }
0x164: {  	[tilespmem:v7+s25+$0x0] =	vst.idx.msk $0xffff, v6  }
0x165: {  	v6 =	vld [tilespmem:s29+$0x50];
	_ =	sdelay $0x4  }
0x166: {  	v7 =	vand.u32 $0xFF, v6;
	_ =	sdelay $0x4  }
0x167: {  	v7 =	vld.idx.msk [tilespmem:v7+s23+$0x0], $0xffff  }
0x168: {  	s31 =	sadd.s32 $0xFFFFFF80, s30  }
0x169: {  	v47 =	vor.u32 s31, v1;
	v48 =	vshrl.u32 v6, $0x8  }
0x16a: {  	v49 =	vbroadcast v5, $0xD;
	v9 =	vand.u32 $0xFF, v48;
	_ =	sdelay $0x1  }
0x16b: {  	v7 =	vmul.f32 v7, v49;
	_ =	sdelay $0x1  }
0x16c: {  	[tilespmem:v47+s25+$0x0] =	vst.idx.msk $0xffff, v7  }
0x16d: {  	v7 =	vld.idx.msk [tilespmem:v9+s23+$0x0], $0xffff;
	_ =	sdelay $0x1  }
0x16e: {  	v50 =	vor.u32 s31, v2;
	v51 =	vshrl.u32 v6, $0x10  }
0x16f: {  	v9 =	vand.u32 $0xFF, v51;
	_ =	sdelay $0x1  }
0x170: {  	v7 =	vmul.f32 v7, v49;
	_ =	sdelay $0x1  }
0x171: {  	[tilespmem:v50+s25+$0x0] =	vst.idx.msk $0xffff, v7  }
0x172: {  	v7 =	vld.idx.msk [tilespmem:v9+s23+$0x0], $0xffff;
	_ =	sdelay $0x1  }
0x173: {  	v52 =	vor.u32 s31, v3  }
0x174: {  	v6 =	vshrl.u32 v6, $0x18;
	_ =	sdelay $0x1  }
0x175: {  	v7 =	vmul.f32 v7, v49;
	_ =	sdelay $0x1  }
0x176: {  	[tilespmem:v52+s25+$0x0] =	vst.idx.msk $0xffff, v7  }
0x177: {  	v6 =	vld.idx.msk [tilespmem:v6+s23+$0x0], $0xffff;
	_ =	sdelay $0x1  }
0x178: {  	v7 =	vor.u32 s31, v4;
	_ =	sdelay $0x2  }
0x179: {  	v6 =	vmul.f32 v6, v49;
	_ =	sdelay $0x1  }
0x17a: {  	[tilespmem:v7+s25+$0x0] =	vst.idx.msk $0xffff, v6  }
0x17b: {  	v6 =	vld [tilespmem:s29+$0x60];
	_ =	sdelay $0x4  }
0x17c: {  	v7 =	vand.u32 $0xFF, v6;
	_ =	sdelay $0x4  }
0x17d: {  	v7 =	vld.idx.msk [tilespmem:v7+s23+$0x0], $0xffff  }
0x17e: {  	s31 =	sadd.s32 $0xFFFFFFC0, s30  }
0x17f: {  	v53 =	vor.u32 s31, v1;
	v54 =	vshrl.u32 v6, $0x8  }
0x180: {  	v55 =	vbroadcast v5, $0xE;
	v9 =	vand.u32 $0xFF, v54;
	_ =	sdelay $0x1  }
0x181: {  	v7 =	vmul.f32 v7, v55;
	_ =	sdelay $0x1  }
0x182: {  	[tilespmem:v53+s25+$0x0] =	vst.idx.msk $0xffff, v7  }
0x183: {  	v7 =	vld.idx.msk [tilespmem:v9+s23+$0x0], $0xffff;
	_ =	sdelay $0x1  }
0x184: {  	v56 =	vor.u32 s31, v2;
	v57 =	vshrl.u32 v6, $0x10  }
0x185: {  	v9 =	vand.u32 $0xFF, v57;
	_ =	sdelay $0x1  }
0x186: {  	v7 =	vmul.f32 v7, v55;
	_ =	sdelay $0x1  }
0x187: {  	[tilespmem:v56+s25+$0x0] =	vst.idx.msk $0xffff, v7  }
0x188: {  	v7 =	vld.idx.msk [tilespmem:v9+s23+$0x0], $0xffff;
	_ =	sdelay $0x1  }
0x189: {  	v58 =	vor.u32 s31, v3  }
0x18a: {  	v6 =	vshrl.u32 v6, $0x18;
	_ =	sdelay $0x1  }
0x18b: {  	v7 =	vmul.f32 v7, v55;
	_ =	sdelay $0x1  }
0x18c: {  	[tilespmem:v58+s25+$0x0] =	vst.idx.msk $0xffff, v7  }
0x18d: {  	v6 =	vld.idx.msk [tilespmem:v6+s23+$0x0], $0xffff;
	_ =	sdelay $0x1  }
0x18e: {  	v7 =	vor.u32 s31, v4;
	_ =	sdelay $0x2  }
0x18f: {  	v6 =	vmul.f32 v6, v55;
	_ =	sdelay $0x1  }
0x190: {  	[tilespmem:v7+s25+$0x0] =	vst.idx.msk $0xffff, v6  }
0x191: {  	v6 =	vld [tilespmem:s29+$0x70];
	_ =	sdelay $0x4  }
0x192: {  	v7 =	vand.u32 $0xFF, v6;
	_ =	sdelay $0x4  }
0x193: {  	v7 =	vld.idx.msk [tilespmem:v7+s23+$0x0], $0xffff;
	_ =	sdelay $0x1  }
0x194: {  	v59 =	vor.u32 s30, v1;
	v60 =	vshrl.u32 v6, $0x8  }
0x195: {  	v5 =	vbroadcast v5, $0xF;
	v9 =	vand.u32 $0xFF, v60;
	_ =	sdelay $0x1  }
0x196: {  	v7 =	vmul.f32 v7, v5;
	_ =	sdelay $0x1  }
0x197: {  	[tilespmem:v59+s25+$0x0] =	vst.idx.msk $0xffff, v7  }
0x198: {  	v7 =	vld.idx.msk [tilespmem:v9+s23+$0x0], $0xffff;
	_ =	sdelay $0x1  }
0x199: {  	v61 =	vor.u32 s30, v2;
	v62 =	vshrl.u32 v6, $0x10  }
0x19a: {  	v9 =	vand.u32 $0xFF, v62;
	_ =	sdelay $0x1  }
0x19b: {  	v7 =	vmul.f32 v7, v5;
	_ =	sdelay $0x1  }
0x19c: {  	[tilespmem:v61+s25+$0x0] =	vst.idx.msk $0xffff, v7  }
0x19d: {  	v7 =	vld.idx.msk [tilespmem:v9+s23+$0x0], $0xffff;
	_ =	sdelay $0x1  }
0x19e: {  	v63 =	vor.u32 s30, v3  }
0x19f: {  	v6 =	vshrl.u32 v6, $0x18;
	_ =	sdelay $0x1  }
0x1a0: {  	v7 =	vmul.f32 v7, v5;
	_ =	sdelay $0x1  }
0x1a1: {  	[tilespmem:v63+s25+$0x0] =	vst.idx.msk $0xffff, v7  }
0x1a2: {  	v6 =	vld.idx.msk [tilespmem:v6+s23+$0x0], $0xffff;
	_ =	sdelay $0x1  }
0x1a3: {  	p0 =	sne.s32 s28, $0x1FF;
	v7 =	vor.u32 s30, v4  }
.Ltmp0:
0x1a4: {  	_ = 	snop;
	(pc) =	sbr.rel @p0 .LBB2_2-.Ltmp0, $3  }
0x1a5: {  	_ = 	snop  }
0x1a6: {  	v5 =	vmul.f32 v6, v5;
	_ =	sdelay $0x1  }
0x1a7: {  	s28 =	sadd.s32 $0x10, s28;
	s29 =	sadd.s32 $0x100, s29;
	[tilespmem:v7+s25+$0x0] =	vst.idx.msk $0xffff, v5  }
0x1a8: {  	s26 =	sadd.s32 $0x1, s26  }
0x1a9: {  	p0 =	sne.s32 s26, s11  }
.Ltmp1:
0x1aa: {  	_ = 	snop;
	(pc) =	sbr.rel @p0 .LBB2_1-.Ltmp1, $4  }
0x1ab: {  	[hbm4b:s10+s4] =	stream.linear.scatter [tilespmem:s25], [sflag:$0x2], $0x8000, $0x38;
	[tilespmem:$0xE210] =	vst v63  }
0x1ac: {  	_ =	swait.ge [sflag:s13], $0x8000  }
0x1ad: {  	[sflag:s13] =	ssyncset.done $0x0  }
0x1ae: {  	[sflag:s13] =	ssyncadd.s32 $0xFFFF8000  }
0x1af: {  	_ =	sfence.sel $0x180000  }
0x1b0: {  	[bflag:$0x0] =	sbarrier.arrive $0xFFFF  }
0x1b1: {  	p0 =	sne.s32 s2, $0x0;
	_ =	strace $0x9000004A  }
0x1b2: {  	s0 =	sadd.s32 @!p0 $0x100000, s0;
	[bflag:$0x2] =	sbarrier.arrive $0xFFFF  }
0x1b3: {  	[sflag:s0] =	ssyncadd.tile.s32 @!p0 $0x1;
	_ =	shalt  }
.Lfunc_end2:
_tile_overlayer_lowered:
.L_overlay_start_2:
0x1b4: {  	(tag) =	ssettag $0x2  }
0x1b5: {  	s0 =	rddreg [dreg:$0x0];
	s2 =	stileid.u32  }
0x1b6: {  	s1 =	rddreg [dreg:$0x1];
	p0 =	sne.s32 s2, $0x0  }
0x1b7: {  	s3 =	rddreg [dreg:$0x2];
	[bflag:$0x3] =	sbarrier.arrive $0xFFFF;
	s2 =	simm.s32 @!p0 $0x1C02  }
0x1b8: {  	[timem:s3], [sflag:s2] =	dma.local @!p0 [hbm:s0], s1  }
0x1b9: {  	s0 =	simm.s32 @!p0 $0x2  }
0x1ba: {  	_ =	swait.ge @!p0 [sflag:s0], s1  }
0x1bb: {  	s1 =	ssub.s32 @!p0 $0x0, s1;
	[sflag:s0] =	ssyncset.done @!p0 $0x0  }
0x1bc: {  	[sflag:s0] =	ssyncadd.s32 @!p0 s1  }
0x1bd: {  	[bflag:$0x3] =	sbarrier.arrive $0xFFFF  }
0x1be: {  	_ =	shalt  }

// kernel: sparse-core-data-format-call.cloned.1.call-start
scs
called_computation_lowered:
.L_overlay_start_0:
0x0: {  	s1 =	sld [smem:$0x3FD9]  }
0x1: {  	s2 =	sld [smem:$0x3FFE];
	_ =	sdelay $0x1  }
0x2: {  	s3 =	srdreg.scid  }
0x3: {  	s0 =	sand.u32 $0x1, s3  }
0x4: {  	s17 =	sshll.u32 s0, $0xA;
	s1 =	sadd.s32 s2, s1  }
0x5: {  	s1 =	sadd.s32 s1, s17  }
0x6: {  	[smem:$0x3FC4] =	sst s1  }
0x7: {  	_ = 	snop  }
0x8: {  	(tm) =	ssettm $0x1  }
0x9: {  	s18 =	sld [smem:$0x3FFB];
	_ =	sdelay $0x3  }
0xa: {  	_ =	strace s18  }
0xb: {  	s1 =	sld [smem:$0x3FFC];
	_ =	sdelay $0x3  }
0xc: {  	_ =	strace s1  }
0xd: {  	s1 =	sld [smem:$0x3FFD];
	_ =	sdelay $0x3  }
0xe: {  	_ =	strace s1  }
0xf: {  	_ =	strace $0x8FFFFFFF  }
0x10: {  	s19 =	sld [smem:$0x3FDB];
	_ =	sdelay $0x1  }
0x11: {  	s20 =	simm.s32 $_scs_section_size  }
0x12: {  	s4 =	simm.s32 $_size__tile_overlayer_lowered;
	s5 =	simm.s32 $_tile_overlayer_lowered  }
0x13: {  	s23 =	simm.s32 $0x1BFF;
	s22 =	sshll.u32 s5, $0x1;
	s1 =	sadd.s32 s20, s19  }
0x14: {  	s6 =	simm.s32 $0x0;
	s21 =	sshll.u32 s4, $0x1;
	s4 =	sadd.s32 s22, s1  }
0x15: {  	[timem:s6], [sflag:s23] =	dma.local [hbm:s4], s21  }
0x16: {  	_ =	swait.ge [sflag:s23], s21  }
0x17: {  	s2 =	ssub.s32 $0x0, s21;
	[sflag:s23] =	ssyncset.done $0x0  }
0x18: {  	[sflag:s23] =	ssyncadd.s32 s2;
	_ =	sdelay $0x1  }
0x19: {  	s24 =	simm.s32 $0x1B8B  }
0x1a: {  	_ =	swait.ge [sflag:s24], $0x1  }
0x1b: {  	[sflag:s24] =	ssyncset.done $0x0  }
0x1c: {  	s26 =	simm.s32 $0x1B8E;
	s25 =	sld [smem:$0x3FFE];
	[sflag:s24] =	ssyncadd.s32 $0xFFFFFFFF  }
0x1d: {  	s27 =	simm.s32 $execute0_lowered;
	[smem:$0x3FD2] =	sst s26  }
0x1e: {  	s4 =	sshll.u32 s27, $0x1;
	_ =	strace $0x80000046;
	[dreg:$0x1] =	wrdreg $0xFFFFFFFF  }
0x1f: {  	s28 =	simm.s32 $_size_execute0_lowered;
	s1 =	sadd.s32 s1, s4;
	[dreg:$0x0] =	wrdreg $0x0  }
0x20: {  	s4 =	sshll.u32 s28, $0x1;
	[dreg:$0x2] =	wrdreg s1  }
0x21: {  	[dreg:$0x3] =	wrdreg s4  }
0x22: {  	[dreg:$0x4] =	wrdreg $0xC0  }
0x23: {  	_ =	task [dreg:s6], $0x5FFFF  }
0x24: {  	[dreg:$0x1] =	wrdreg $0xFFFFFFFF  }
0x25: {  	[dreg:$0x0] =	wrdreg $0x60  }
0x26: {  	[dreg:$0x2] =	wrdreg s25  }
0x27: {  	[dreg:$0x3] =	wrdreg $0x9  }
0x28: {  	_ =	task.clear_ibuf [dreg:s6], $0x4FFFF;
	_ =	strace $0x90000046  }
0x29: {  	s29 =	simm.s32 $0x9;
	_ =	strace $0x80000048  }
0x2a: {  	_ =	swait.ge [sflag:s29], $0x1  }
0x2b: {  	[sflag:s29] =	ssyncadd.s32 $0xFFFFFFFF  }
0x2c: {  	_ =	strace $0x90000048  }
0x2d: {  	_ =	sfence  }
0x2e: {  	s30 =	sld [smem:$0x0];
	_ =	sdelay $0x2  }
0x2f: {  	s31 =	sshll.u32 s3, $0xD;
	s3 =	sshrl.u32 s3, $0x2  }
0x30: {  	s2 =	sand.u32 $0x4000, s31;
	s1 =	sadd.s32 s3, s30  }
0x31: {  	s0 =	sor.u32 s2, s0;
	s1 =	sshll.u32 s1, $0x11  }
0x32: {  	s0 =	sor.u32 s1, s0  }
0x33: {  	s0 =	sadd.s32 $0x8F2B, s0  }
0x34: {  	[sflag:s0] =	ssyncadd.remote.s32 $0x1  }
0x35: {  	_ =	sfence.sel $0xFFFF  }
0x36: {  	[dreg:$0x0] =	wrdreg $0xFFFFFFFF;
	(pc) =	sbr.abs _section_cstart, $3  }
0x37: {  	[dreg:$0x1] =	wrdreg $0xFFFFFFFF  }
0x38: {  	_ =	task.clear_ibuf [dreg:s6], $0x2FFFF;
	_ =	strace $0x9FFFFFFF  }
0x39: {  	(tm) =	ssettm $0x7FFFFFFF  }
tec
execute0_lowered:
.L_overlay_start_1:
0x0: {  	(tag) =	ssettag $0x1  }
0x1: {  	s0 =	srdreg.scid  }
0x2: {  	s4 =	rddreg [dreg:$0x0];
	s1 =	stileid.u32  }
0x3: {  	s5 =	simm.s32 $0x1;
	s7 =	simm.s32 $0x2;
	s0 =	sshll.u32 s0, $0x4  }
0x4: {  	s8 =	simm.s32 $0x0;
	s12 =	simm.s32 $0x0;
	s2 =	sand.u32 $0x10, s0  }
.Ltmp0:
0x5: {  	s10 =	simm.s32 $0x0;
	s3 =	sor.u32 s1, s2;
	(pc) =	sbr.rel .LBB1_1-.Ltmp0, $4  }
0x6: {  	s11 =	simm.s32 $0x0;
	s0 =	rddreg [dreg:$0x1];
	s3 =	sshll.u32 s3, $0x3  }
0x7: {  	_ =	strace $0x80000047;
	s2 =	sadd.s32 $0x800, s4;
	s6 =	ssub.s32 $0x3D08, s3  }
0x8: {  	s4 =	sadd.s32 $0x1E8E00, s4;
	[sflag:s5] =	ssyncpa.u1 $0x0;
	s6 =	sshrl.u32 s6, $0x8  }
0x9: {  	[sflag:s7] =	ssyncpa.u1 $0x0;
	s9 =	smov.u32 s3;
	s7 =	sor.u32 $0x2, s6  }
.LBB1_9:
0xa: {  	s14 =	sshll.u32 s10, $0x7  }
0xb: {  	s14 =	sadd.s32 s4, s14  }
0xc: {  	[hbm4b:s14+s8] =	stream.linear.scatter [tilespmem:s15], [sflag:$0x2], s13, $0x38;
	[tilespmem:$0x8000] =	vst v63  }
.LBB1_10:
0xd: {  	p0 =	slt.u32 s11, $0x2  }
0xe: {  	p1 =	sgt.s32 @!p0 s12, $0x3D01  }
0xf: {  	s13 =	smov.u32 s12;
	s14 =	sshra.s32 @!p0 s12, $0x1F;
	p1 =	por !p1, p0  }
0x10: {  	s12 =	sand.u32 @!p0 s14, s12;
	s13 =	simm.s32 @p1 $0x3D01  }
0x11: {  	s12 =	ssub.s32 @!p0 s13, s12  }
0x12: {  	s12 =	sadd.s32 @!p0 $0xFFFFC2FF, s12  }
0x13: {  	s13 =	sshll.u32 @!p0 s12, $0xC  }
0x14: {  	p1 =	sgt.s32 @!p0 s12, $0x7;
	s12 =	ssub.s32 @!p0 $0x8000, s13  }
0x15: {  	s14 =	sadd.s32 $0x100, s9;
	p1 =	por !p1, p0;
	s12 =	sshrl.u32 @!p0 s12, $0x2  }
0x16: {  	s12 =	simm.s32 @!p1 $0x0;
	p1 =	sgt.s32 s14, $0x3D08  }
0x17: {  	s14 =	smov.u32 @p1 s3;
	p1 =	sne.s32 s11, s7  }
.Ltmp1:
0x18: {  	_ = 	snop;
	(pc) =	sbr.rel @!p1 .LBB1_11-.Ltmp1, $4  }
0x19: {  	s13 =	simm.s32 @!p0 $0x2  }
0x1a: {  	_ =	swait.ge @!p0 [sflag:s13], s12;
	s15 =	ssub.s32 @!p0 $0x0, s12  }
0x1b: {  	s12 =	smov.u32 s10;
	s11 =	sadd.s32 $0x1, s11;
	[sflag:s13] =	ssyncset.done @!p0 $0x0  }
0x1c: {  	s10 =	smov.u32 s9;
	s9 =	smov.u32 s14;
	[sflag:s13] =	ssyncadd.s32 @!p0 s15  }
.LBB1_1:
0x1d: {  	p0 =	sgt.u32 s11, s6  }
0x1e: {  	p1 =	sgt.s32 @!p0 s9, $0x3D01  }
0x1f: {  	s13 =	smov.u32 s9;
	s14 =	sshra.s32 @!p0 s9, $0x1F;
	p1 =	por !p1, p0  }
0x20: {  	s14 =	sand.u32 @!p0 s14, s9;
	s13 =	simm.s32 @p1 $0x3D01  }
0x21: {  	s13 =	ssub.s32 @!p0 s13, s14  }
0x22: {  	s13 =	sadd.s32 @!p0 $0xFFFFC2FF, s13  }
0x23: {  	s15 =	sshll.u32 @!p0 s9, $0x7;
	s16 =	simm.s32 @!p0 $0x0;
	s14 =	sshll.u32 @!p0 s13, $0xC  }
0x24: {  	p1 =	sgt.s32 @!p0 s13, $0x7;
	s13 =	ssub.s32 @!p0 $0x8000, s14;
	s14 =	sxor.u32 @!p0 $0xFFFFFFFF, s11  }
0x25: {  	p1 =	por !p1, p0;
	s13 =	sshrl.u32 @!p0 s13, $0x2;
	s14 =	sshll.u32 @!p0 s14, $0xD  }
0x26: {  	s15 =	sadd.s32 @!p0 s2, s15;
	s13 =	simm.s32 @!p1 $0x0;
	s14 =	sand.u32 @!p0 $0x2000, s14  }
0x27: {  	[tilespmem:s14], [sflag:$0x1] =	stream.linear.gather @!p0 [hbm4b:s15+s16], s13, $0x38;
	[tilespmem:$0x8000] =	vst v63  }
0x28: {  	p0 =	seq.s32 s11, $0x0  }
0x29: {  	p1 =	sge.u32 @!p0 s11, s7  }
0x2a: {  	p0 =	por p0, p1  }
.Ltmp2:
0x2b: {  	_ = 	snop;
	(pc) =	sbr.rel @p0 .LBB1_10-.Ltmp2, $1  }
0x2c: {  	_ =	sdelay $0x3  }
0x2d: {  	p0 =	sgt.s32 s10, $0x3D01;
	s13 =	smov.u32 s10;
	s14 =	sshra.s32 s10, $0x1F  }
0x2e: {  	s13 =	simm.s32 @!p0 $0x3D01;
	s14 =	sand.u32 s14, s10  }
0x2f: {  	s13 =	ssub.s32 s13, s14  }
0x30: {  	s13 =	sadd.s32 $0xFFFFC2FF, s13  }
0x31: {  	s31 =	sshll.u32 s13, $0xC  }
0x32: {  	s14 =	ssub.s32 $0x8000, s31  }
0x33: {  	p0 =	sgt.s32 s13, $0x7;
	s13 =	sshrl.u32 s14, $0x2;
	s14 =	sadd.s32 $0x8, s10  }
0x34: {  	s13 =	simm.s32 @p0 $0x0;
	p0 =	slt.s32 s14, $0x3D09  }
0x35: {  	s14 =	simm.s32 @!p0 $0x3D09  }
0x36: {  	s14 =	ssub.s32 s14, s10  }
0x37: {  	p0 =	slt.s32 s14, $0x1  }
.Ltmp3:
0x38: {  	_ = 	snop;
	(pc) =	sbr.rel @p0 .LBB1_9-.Ltmp3, $4  }
0x39: {  	s16 =	sshll.u32 s11, $0xF  }
0x3a: {  	s16 =	sand.u32 $0x8000, s16;
	_ =	swait.ge [sflag:s5], s13  }
0x3b: {  	s16 =	sshrl.u32 s16, $0x2;
	s15 =	ssub.s32 $0x0, s13;
	[sflag:s5] =	ssyncset.done $0x0  }
0x3c: {  	[sflag:s5] =	ssyncadd.s32 s15;
	s15 =	sor.u32 $0x4000, s16  }
0x3d: {  	s17 =	simm.s32 $0x0  }
.LBB1_4:
0x3e: {  	s18 =	sshll.u32 s17, $0xC  }
0x3f: {  	s18 =	sshra.s32 s18, $0x2  }
0x40: {  	s19 =	sadd.s32 s18, s16  }
0x41: {  	s20 =	sadd.s32 $0x100, s19;
	v0 =	vmov s19  }
0x42: {  	s21 =	sadd.s32 $0x200, s19;
	v1 =	vmov s20  }
0x43: {  	s22 =	sadd.s32 $0x300, s19;
	v2 =	vmov s21  }
0x44: {  	p1 =	por $0x1, $0x1;
	s18 =	sadd.s32 s18, s15;
	v3 =	vmov s22;
	s20 =	simm.s32 $0x0  }
.LBB1_5:
0x45: {  	s19 =	sshll.u32 s20, $0x7  }
0x46: {  	s21 =	sand.u32 $0x3FFFFF80, s19  }
0x47: {  	p0 =	por p1, p1;
	s21 =	sadd.s32 s21, s18  }
0x48: {  	s22 =	sadd.s32 $0x80, s21;
	s23 =	sadd.s32 $0x100, s21;
	s24 =	sadd.s32 $0x180, s21;
	v4 =	vmov s21  }
0x49: {  	s20 =	sshll.u32 s20, $0x5;
	p1 =	por $0x1, $0x1;
	s21 =	simm.s32 $0x0;
	v5 =	vmov s22;
	v6 =	vmov s23;
	v7 =	vmov s24  }
.LBB1_6:
0x4a: {  	s22 =	sor.u32 s20, s21  }
0x4b: {  	v8 =	vld.idx.msk [tilespmem:v0+s22+$0x0 ss:$0x1], $0xffff  }
0x4c: {  	v9 =	vld.idx.msk [tilespmem:v1+s22+$0x0 ss:$0x1], $0xffff  }
0x4d: {  	v10 =	vld.idx.msk [tilespmem:v2+s22+$0x0 ss:$0x1], $0xffff;
	_ =	sdelay $0x1  }
0x4e: {  	v13 =	vld.idx.msk [tilespmem:v3+s22+$0x0 ss:$0x1], $0xffff  }
0x4f: {  	v24 =	vld.idx.msk [tilespmem:v0+s22+$0x10 ss:$0x1], $0xffff;
	v11 =	vshrl.u32 v8, $0x10;
	v12 =	vshrl.u32 v8, $0x8;
	v14 =	vshrl.u32 v8, $0x18  }
0x50: {  	v38 =	vld.idx.msk [tilespmem:v1+s22+$0x10 ss:$0x1], $0xffff;
	v8 =	vand.u32 $0xFF, v8;
	v15 =	vshrl.u32 v9, $0x10;
	v16 =	vshrl.u32 v9, $0x8  }
0x51: {  	v43 =	vld.idx.msk [tilespmem:v2+s22+$0x10 ss:$0x1], $0xffff;
	v17 =	vshrl.u32 v9, $0x18;
	v9 =	vand.u32 $0xFF, v9;
	v18 =	vshrl.u32 v10, $0x10  }
0x52: {  	v46 =	vld.idx.msk [tilespmem:v3+s22+$0x10 ss:$0x1], $0xffff;
	v19 =	vshrl.u32 v10, $0x8;
	v20 =	vshrl.u32 v10, $0x18;
	v10 =	vand.u32 $0xFF, v10  }
0x53: {  	v21 =	vshrl.u32 v13, $0x18;
	v22 =	vshrl.u32 v13, $0x10;
	v23 =	vshrl.u32 v13, $0x8  }
0x54: {  	v13 =	vand.u32 $0xFF, v13;
	v44 =	vshrl.u32 v24, $0x10;
	v45 =	vshrl.u32 v24, $0x8  }
0x55: {  	v47 =	vshrl.u32 v24, $0x18;
	v48 =	vand.u32 $0xFF, v24;
	v49 =	vshrl.u32 v38, $0x10  }
0x56: {  	v50 =	vshrl.u32 v38, $0x8;
	v51 =	vshrl.u32 v38, $0x18;
	v52 =	vshrl.u32 v43, $0x10  }
0x57: {  	v53 =	vshrl.u32 v43, $0x8;
	v54 =	vshrl.u32 v43, $0x18;
	v25 =	vshrl.u32 v46, $0x10  }
0x58: {  	v26 =	vand.u32 $0xFF, v46;
	v55 =	vshrl.u32 v46, $0x8;
	v11 =	vand.u32 $0xFF, v11  }
0x59: {  	v12 =	vand.u32 $0xFF, v12;
	v15 =	vand.u32 $0xFF, v15;
	v16 =	vand.u32 $0xFF, v16  }
0x5a: {  	v18 =	vand.u32 $0xFF, v18;
	v19 =	vand.u32 $0xFF, v19;
	v22 =	vand.u32 $0xFF, v22  }
0x5b: {  	v23 =	vand.u32 $0xFF, v23;
	v8 =	vpack.i.b32.b16 v10, v8;
	v9 =	vpack.i.b32.b16 v13, v9  }
0x5c: {  	s23 =	sshll.u32 s21, $0x2;
	v41 =	vpack.i.b32.b16 v20, v14;
	v42 =	vpack.i.b32.b16 v21, v17;
	v13 =	vand.u32 $0xFF, v44  }
0x5d: {  	s21 =	sor.u32 $0x80, s23;
	v20 =	vand.u32 $0xFF, v50;
	v14 =	vand.u32 $0xFF, v43;
	v25 =	vand.u32 $0xFF, v25  }
0x5e: {  	s31 =	sor.u32 s19, s21;
	v62 =	vpack.i.b32.b16 v54, v47;
	v8 =	vpack.i.b16.b8 v9, v8;
	v36 =	vpack.i.b32.b16 v19, v12  }
0x5f: {  	s22 =	sshra.s32 s31, $0x2;
	v37 =	vpack.i.b32.b16 v23, v16;
	v39 =	vpack.i.b32.b16 v18, v11;
	v40 =	vpack.i.b32.b16 v22, v15  }
0x60: {  	v56 =	vld.idx.msk [tilespmem:v0+s22+$0x0 ss:$0x1], $0xffff;
	v11 =	vpack.i.b16.b8 v42, v41;
	v15 =	vand.u32 $0xFF, v45;
	v19 =	vand.u32 $0xFF, v49  }
0x61: {  	v59 =	vld.idx.msk [tilespmem:v1+s22+$0x0 ss:$0x1], $0xffff;
	v12 =	vand.u32 $0xFF, v38;
	v22 =	vand.u32 $0xFF, v52;
	v23 =	vand.u32 $0xFF, v53  }
0x62: {  	v61 =	vld.idx.msk [tilespmem:v2+s22+$0x0 ss:$0x1], $0xffff;
	v14 =	vpack.i.b32.b16 v14, v48;
	v16 =	vshrl.u32 v46, $0x18;
	v18 =	vand.u32 $0xFF, v55  }
0x63: {  	v63 =	vld.idx.msk [tilespmem:v3+s22+$0x0 ss:$0x1], $0xffff;
	v9 =	vpack.i.b16.b8 v37, v36;
	v10 =	vpack.i.b16.b8 v40, v39;
	v12 =	vpack.i.b32.b16 v26, v12  }
0x64: {  	v57 =	vpack.i.b32.b16 v23, v15;
	v58 =	vpack.i.b32.b16 v18, v20;
	v13 =	vpack.i.b32.b16 v22, v13  }
0x65: {  	v60 =	vpack.i.b32.b16 v25, v19;
	v16 =	vpack.i.b32.b16 v16, v51;
	v25 =	vshrl.u32 v56, $0x10  }
0x66: {  	v27 =	vshrl.u32 v56, $0x8;
	v28 =	vshrl.u32 v56, $0x18;
	v29 =	vand.u32 $0xFF, v56  }
0x67: {  	v30 =	vshrl.u32 v59, $0x18;
	v31 =	vshrl.u32 v59, $0x10;
	v32 =	vshrl.u32 v59, $0x8  }
0x68: {  	s23 =	sshra.s32 s23, $0x2;
	v33 =	vand.u32 $0xFF, v61;
	v18 =	vand.u32 $0xFF, v59;
	v34 =	vand.u32 $0xFF, v63  }
0x69: {  	v35 =	vshrl.u32 v61, $0x10;
	[tilespmem:v4+s23+$0x0 ss:$0x1] =	vst.idx.msk $0xffff, v8;
	v8 =	vshrl.u32 v61, $0x18;
	v19 =	vshrl.u32 v61, $0x8  }
0x6a: {  	v37 =	vshrl.u32 v63, $0x8;
	v39 =	vshrl.u32 v63, $0x10;
	v40 =	vshrl.u32 v63, $0x18  }
0x6b: {  	v12 =	vpack.i.b16.b8 v12, v14;
	v14 =	vpack.i.b16.b8 v58, v57;
	v13 =	vpack.i.b16.b8 v60, v13  }
0x6c: {  	v15 =	vpack.i.b16.b8 v16, v62;
	v16 =	vand.u32 $0xFF, v25;
	v20 =	vand.u32 $0xFF, v27  }
0x6d: {  	[tilespmem:v7+s23+$0x0 ss:$0x1] =	vst.idx.msk $0xffff, v11;
	v24 =	vand.u32 $0xFF, v31;
	v22 =	vpack.i.b32.b16 v33, v29;
	v25 =	vand.u32 $0xFF, v32  }
0x6e: {  	v43 =	vld.idx.msk [tilespmem:v2+s22+$0x10 ss:$0x1], $0xffff;
	v18 =	vpack.i.b32.b16 v34, v18;
	v26 =	vand.u32 $0xFF, v35;
	[tilespmem:v5+s23+$0x0 ss:$0x1] =	vst.idx.msk $0xffff, v9;
	v36 =	vand.u32 $0xFF, v19  }
0x6f: {  	v38 =	vld.idx.msk [tilespmem:v0+s22+$0x10 ss:$0x1], $0xffff;
	[tilespmem:v6+s23+$0x0 ss:$0x1] =	vst.idx.msk $0xffff, v10;
	v19 =	vand.u32 $0xFF, v37;
	v10 =	vand.u32 $0xFF, v39;
	v8 =	vpack.i.b32.b16 v8, v28  }
0x70: {  	v42 =	vld.idx.msk [tilespmem:v1+s22+$0x10 ss:$0x1], $0xffff;
	v11 =	vpack.i.b32.b16 v40, v30;
	v18 =	vpack.i.b16.b8 v18, v22;
	v9 =	vpack.i.b32.b16 v36, v20  }
0x71: {  	v41 =	vpack.i.b32.b16 v19, v25;
	v16 =	vpack.i.b32.b16 v26, v16;
	v10 =	vpack.i.b32.b16 v10, v24  }
0x72: {  	v46 =	vld.idx.msk [tilespmem:v3+s22+$0x10 ss:$0x1], $0xffff;
	v8 =	vpack.i.b16.b8 v11, v8;
	v9 =	vpack.i.b16.b8 v41, v9;
	v10 =	vpack.i.b16.b8 v10, v16  }
0x73: {  	v53 =	vshrl.u32 v43, $0x18;
	v54 =	vshrl.u32 v43, $0x8;
	v55 =	vshrl.u32 v43, $0x10  }
0x74: {  	[tilespmem:v4+s23+$0x10 ss:$0x1] =	vst.idx.msk $0xffff, v12;
	v16 =	vand.u32 $0xFF, v43;
	v44 =	vshrl.u32 v38, $0x10;
	v45 =	vshrl.u32 v38, $0x8  }
0x75: {  	[tilespmem:v5+s23+$0x10 ss:$0x1] =	vst.idx.msk $0xffff, v14;
	v47 =	vshrl.u32 v38, $0x18;
	v48 =	vand.u32 $0xFF, v38;
	v49 =	vshrl.u32 v42, $0x10  }
0x76: {  	[tilespmem:v6+s23+$0x10 ss:$0x1] =	vst.idx.msk $0xffff, v13;
	v50 =	vshrl.u32 v42, $0x8;
	v51 =	vshrl.u32 v42, $0x18;
	v52 =	vand.u32 $0xFF, v42  }
0x77: {  	s21 =	sshrl.u32 s21, $0x2;
	[tilespmem:v7+s23+$0x10 ss:$0x1] =	vst.idx.msk $0xffff, v15;
	v22 =	vand.u32 $0xFF, v54;
	v56 =	vshrl.u32 v46, $0x10;
	v57 =	vshrl.u32 v46, $0x8  }
0x78: {  	[tilespmem:v5+s21+$0x0 ss:$0x1] =	vst.idx.msk $0xffff, v9;
	v58 =	vand.u32 $0xFF, v46;
	v9 =	vand.u32 $0xFF, v55;
	v11 =	vand.u32 $0xFF, v44  }
0x79: {  	[tilespmem:v4+s21+$0x0 ss:$0x1] =	vst.idx.msk $0xffff, v18;
	v12 =	vand.u32 $0xFF, v45;
	v20 =	vand.u32 $0xFF, v49;
	v21 =	vand.u32 $0xFF, v50  }
0x7a: {  	[tilespmem:v7+s21+$0x0 ss:$0x1] =	vst.idx.msk $0xffff, v8;
	v8 =	vand.u32 $0xFF, v57;
	v13 =	vpack.i.b32.b16 v16, v48;
	v59 =	vpack.i.b32.b16 v58, v52  }
0x7b: {  	p2 =	por p1, p1;
	[tilespmem:v6+s21+$0x0 ss:$0x1] =	vst.idx.msk $0xffff, v10;
	v10 =	vand.u32 $0xFF, v56;
	v12 =	vpack.i.b32.b16 v22, v12;
	v8 =	vpack.i.b32.b16 v8, v21  }
.Ltmp4:
0x7c: {  	v62 =	vpack.i.b32.b16 v53, v47;
	v13 =	vpack.i.b16.b8 v59, v13;
	v8 =	vpack.i.b16.b8 v8, v12;
	(pc) =	sbr.rel @p2 .LBB1_6-.Ltmp4, $4  }
0x7d: {  	v60 =	vshrl.u32 v46, $0x18;
	v61 =	vpack.i.b32.b16 v10, v20;
	[tilespmem:v5+s21+$0x10 ss:$0x1] =	vst.idx.msk $0xffff, v8;
	v8 =	vpack.i.b32.b16 v9, v11  }
0x7e: {  	v63 =	vpack.i.b32.b16 v60, v51;
	[tilespmem:v4+s21+$0x10 ss:$0x1] =	vst.idx.msk $0xffff, v13;
	v8 =	vpack.i.b16.b8 v61, v8  }
0x7f: {  	[tilespmem:v6+s21+$0x10 ss:$0x1] =	vst.idx.msk $0xffff, v8;
	v8 =	vpack.i.b16.b8 v63, v62  }
0x80: {  	p1 =	por $0x0, $0x0;
	[tilespmem:v7+s21+$0x10 ss:$0x1] =	vst.idx.msk $0xffff, v8;
	s21 =	simm.s32 $0x40  }
.Ltmp5:
0x81: {  	(pc) =	sbr.rel @p0 .LBB1_5-.Ltmp5, $2  }
0x82: {  	_ =	sdelay $0x2  }
0x83: {  	s20 =	simm.s32 $0x4;
	p1 =	por $0x0, $0x0  }
0x84: {  	s17 =	sadd.s32 $0x1, s17  }
0x85: {  	p0 =	sne.s32 s17, s14  }
.Ltmp6:
0x86: {  	_ = 	snop;
	(pc) =	sbr.rel @p0 .LBB1_4-.Ltmp6, $4  }
.Ltmp7:
0x87: {  	_ = 	snop;
	(pc) =	sbr.rel @!p0 .LBB1_9-.Ltmp7, $4  }
0x88: {  	_ = 	snop  }
0x89: {  	_ = 	snop  }
0x8a: {  	_ = 	snop  }
0x8b: {  	_ = 	snop  }
.LBB1_11:
0x8c: {  	_ =	sfence.sel $0x180000  }
0x8d: {  	s2 =	simm.s32 $0x1;
	[bflag:$0x0] =	sbarrier.arrive $0xFFFF  }
0x8e: {  	s31 =	simm.s32 $0x2;
	[sflag:s2] =	ssyncpa.u1 $0x1  }
0x8f: {  	[sflag:s31] =	ssyncpa.u1 $0x1  }
0x90: {  	p0 =	sne.s32 s1, $0x0;
	_ =	strace $0x90000047  }
0x91: {  	s0 =	sadd.s32 @!p0 $0x100000, s0;
	[bflag:$0x2] =	sbarrier.arrive $0xFFFF  }
0x92: {  	[sflag:s0] =	ssyncadd.tile.s32 @!p0 $0x1;
	_ =	shalt  }
.Lfunc_end1:
_tile_overlayer_lowered:
.L_overlay_start_2:
0x93: {  	(tag) =	ssettag $0x2  }
0x94: {  	s0 =	rddreg [dreg:$0x0];
	s2 =	stileid.u32  }
0x95: {  	s1 =	rddreg [dreg:$0x1];
	p0 =	sne.s32 s2, $0x0  }
0x96: {  	s3 =	rddreg [dreg:$0x2];
	[bflag:$0x3] =	sbarrier.arrive $0xFFFF;
	s2 =	simm.s32 @!p0 $0x1C01  }
0x97: {  	[timem:s3], [sflag:s2] =	dma.local @!p0 [hbm:s0], s1  }
0x98: {  	s0 =	simm.s32 @!p0 $0x1  }
0x99: {  	_ =	swait.ge @!p0 [sflag:s0], s1  }
0x9a: {  	s1 =	ssub.s32 @!p0 $0x0, s1;
	[sflag:s0] =	ssyncset.done @!p0 $0x0  }
0x9b: {  	[sflag:s0] =	ssyncadd.s32 @!p0 s1  }
0x9c: {  	[bflag:$0x3] =	sbarrier.arrive $0xFFFF  }
0x9d: {  	_ =	shalt  }

</sc_bundles>
